<compile_context>
chip_gen: v7x
topology: tpu7x:2x2x1
jax: 0.10.2.dev20260603
libtpu: 0.0.44.dev20260713+nightly
codegen_flags: <defaults>
</compile_context>

<pallas_src>
import functools

import jax
import jax.numpy as jnp
from jax import lax
from jax.experimental import pallas as pl
from jax.experimental.pallas import tpu as pltpu
from jax.experimental.pallas import tpu_sc as plsc

B, L = 1024, 200
V, P, T, H = 1000000, 512, 2, 128
N = B * L
NC, NS, LANES = 2, 16, 16
NW = NC * NS
ROWS_PER_W = N // NW
C = 128
CHUNKS = ROWS_PER_W // C
HV = H // LANES
EPS = 1e-12


def _bc(s):
    return lax.broadcast_in_dim(s, (LANES,), ())


def _rsqrt_scalar(x):
    i = lax.bitcast_convert_type(x, jnp.int32)
    i = jnp.int32(0x5F3759DF) - lax.shift_right_arithmetic(i, 1)
    y = lax.bitcast_convert_type(i, jnp.float32)
    for _ in range(3):
        y = y * (1.5 - 0.5 * x * y * y)
    return y


def _sc_body(pid_hbm, eid_hbm, ent_hbm, pos_hbm, typ_hbm, gam_hbm, bet_hbm,
             out_hbm, eid_v, pid_v, ent_a, ent_b, pos_tab, gam_v, bet_v,
             typ_v, sem_ea, sem_eb):
    wid = lax.axis_index("s") * NC + lax.axis_index("c")
    wbase = wid * ROWS_PER_W
    iota = lax.iota(jnp.int32, LANES)

    pltpu.sync_copy(eid_hbm.at[pl.ds(wbase, ROWS_PER_W)], eid_v)
    pltpu.sync_copy(pid_hbm.at[pl.ds(wbase, ROWS_PER_W)], pid_v)
    pltpu.sync_copy(pos_hbm, pos_tab)
    pltpu.sync_copy(gam_hbm, gam_v)
    pltpu.sync_copy(bet_hbm, bet_v)
    pltpu.sync_copy(typ_hbm.at[0], typ_v)

    tv = [typ_v[pl.ds(LANES * j, LANES)] for j in range(HV)]
    gv = [gam_v[pl.ds(LANES * j, LANES)] for j in range(HV)]
    bv = [bet_v[pl.ds(LANES * j, LANES)] for j in range(HV)]

    def start_gathers(ch, ent_buf, sem_e):
        pltpu.async_copy(ent_hbm.at[eid_v.at[pl.ds(ch * C, C)]],
                         ent_buf, sem_e)

    def wait_gathers(ent_buf, sem_e):
        pltpu.make_async_copy(ent_hbm.at[eid_v.at[pl.ds(0, C)]],
                              ent_buf, sem_e).wait()

    def compute_chunk(ch, ent_buf):
        cols = [iota + (LANES * j) for j in range(HV)]

        @pl.loop(0, C, unroll=2)
        def _row(r):
            rr = _bc(r)
            pid = plsc.load_gather(pid_v, [_bc(ch * C) + rr])
            v = [plsc.load_gather(ent_buf, [rr, cols[j]])
                 + plsc.load_gather(pos_tab, [pid, cols[j]]) + tv[j]
                 for j in range(HV)]
            s = v[0] + v[1]
            s2 = v[2] + v[3]
            s3 = v[4] + v[5]
            s4 = v[6] + v[7]
            s = (s + s2) + (s3 + s4)
            q = v[0] * v[0] + v[1] * v[1]
            q2 = v[2] * v[2] + v[3] * v[3]
            q3 = v[4] * v[4] + v[5] * v[5]
            q4 = v[6] * v[6] + v[7] * v[7]
            q = (q + q2) + (q3 + q4)
            tot = jnp.sum(s)
            sq = jnp.sum(q)
            mu = tot * (1.0 / H)
            var = sq * (1.0 / H) - mu * mu
            rs = _rsqrt_scalar(var + EPS)
            mu_v = _bc(mu)
            rs_v = _bc(rs)
            for j in range(HV):
                o = (v[j] - mu_v) * rs_v * gv[j] + bv[j]
                plsc.store_scatter(ent_buf, [rr, cols[j]], o)

        pltpu.sync_copy(ent_buf, out_hbm.at[pl.ds(wbase + ch * C, C)])

    start_gathers(0, ent_a, sem_ea)

    @pl.loop(0, CHUNKS, step=2)
    def _pipe(g):
        start_gathers(g + 1, ent_b, sem_eb)
        wait_gathers(ent_a, sem_ea)
        compute_chunk(g, ent_a)

        @pl.when(g + 2 < CHUNKS)
        def _():
            start_gathers(g + 2, ent_a, sem_ea)

        wait_gathers(ent_b, sem_eb)
        compute_chunk(g + 1, ent_b)


@functools.partial(jax.jit, donate_argnums=())
def kernel(position_ids, entity_ids, entity_table, pos_table, type_table,
           ln_gamma, ln_beta):
    pid_flat = position_ids.reshape(N)
    eid_flat = entity_ids.reshape(N)

    mesh = plsc.VectorSubcoreMesh(core_axis_name="c", subcore_axis_name="s")
    f = pl.kernel(
        _sc_body,
        out_type=jax.ShapeDtypeStruct((N, H), jnp.float32),
        mesh=mesh,
        scratch_types=[
            pltpu.VMEM((ROWS_PER_W,), jnp.int32),
            pltpu.VMEM((ROWS_PER_W,), jnp.int32),
            pltpu.VMEM((C, H), jnp.float32),
            pltpu.VMEM((C, H), jnp.float32),
            pltpu.VMEM((P, H), jnp.float32),
            pltpu.VMEM((H,), jnp.float32),
            pltpu.VMEM((H,), jnp.float32),
            pltpu.VMEM((H,), jnp.float32),
            pltpu.SemaphoreType.DMA,
            pltpu.SemaphoreType.DMA,
        ],
        compiler_params=pltpu.CompilerParams(needs_layout_passes=False),
    )
    out = f(pid_flat, eid_flat, entity_table, pos_table, type_table,
            ln_gamma, ln_beta)
    return out.reshape(B, L, H)

# --- scband reference (transcript-rebuilt; emitter-appended) ---
"""Pipeline reference for scband-entity-embeddings-25778393711031 (READ-ONLY COPY).

The authoritative reference and input builder live on the scoring server;
editing this copy changes nothing except your own understanding.
"""

import jax, jax.numpy as jnp
import numpy as np

B, L = 1024, 200
V, P, T, H = 1000000, 512, 2, 128
EPS = 1e-12


def setup_inputs(seed: int = 0) -> dict:
    key = jax.random.key(seed)
    ks = jax.random.split(key, 7)
    return {
        "position_ids": jax.random.randint(ks[0], (B, L), 0, P, dtype=jnp.int32),
        "entity_ids": jax.random.randint(ks[1], (B, L), 0, V, dtype=jnp.int32),
        "entity_table": jax.random.normal(ks[2], (V, H), dtype=jnp.float32) * 0.02,
        "pos_table": jax.random.normal(ks[3], (P, H), dtype=jnp.float32) * 0.02,
        "type_table": jax.random.normal(ks[4], (T, H), dtype=jnp.float32) * 0.02,
        "ln_gamma": jnp.ones((H,), dtype=jnp.float32),
        "ln_beta": jnp.zeros((H,), dtype=jnp.float32),
    }


def reference(position_ids, entity_ids, entity_table, pos_table, type_table, ln_gamma, ln_beta):
    # token_type_ids are all zeros, as in the torch module
    token_type_ids = jnp.zeros_like(position_ids)
    # entity_embeddings = self.entity_embeddings(entity_ids); emb_size == hidden_size so no dense
    entity_embeddings = jnp.take(entity_table, entity_ids, axis=0)
    # position_ids is 2D here -> plain embedding lookup branch
    position_embeddings = jnp.take(pos_table, position_ids, axis=0)
    token_type_embeddings = jnp.take(type_table, token_type_ids, axis=0)
    embeddings = entity_embeddings + position_embeddings + token_type_embeddings
    # BertLayerNorm over last dim, eps=1e-12
    mu = jnp.mean(embeddings, axis=-1, keepdims=True)
    var = jnp.mean((embeddings - mu) ** 2, axis=-1, keepdims=True)
    normed = (embeddings - mu) / jnp.sqrt(var + EPS)
    out = normed * ln_gamma + ln_beta
    # dropout prob 0.0 -> identity (eval-mode behavior)
    return out

if __name__ == "__main__":
    import jax
    _d = setup_inputs()
    print(jax.jit(kernel)(*tuple(_d.values())))

</pallas_src>

<mosaic_0001>
#map = affine_map<(d0, d1) -> (0)>
#map1 = affine_map<(d0, d1) -> (0, 0)>
module attributes {stable_mosaic.version = 14 : i64} {
  func.func @_sc_body(%arg0: i32, %arg1: i32, %arg2: memref<204800xi32, #tpu.memory_space<hbm>>, %arg3: memref<204800xi32, #tpu.memory_space<hbm>>, %arg4: memref<1000000x128xf32, #tpu.memory_space<hbm>>, %arg5: memref<512x128xf32, #tpu.memory_space<hbm>>, %arg6: memref<2x128xf32, #tpu.memory_space<hbm>>, %arg7: memref<128xf32, #tpu.memory_space<hbm>>, %arg8: memref<128xf32, #tpu.memory_space<hbm>>, %arg9: memref<204800x128xf32, #tpu.memory_space<hbm>>, %arg10: memref<6400xi32, #tpu.memory_space<vmem>>, %arg11: memref<6400xi32, #tpu.memory_space<vmem>>, %arg12: memref<128x128xf32, #tpu.memory_space<vmem>>, %arg13: memref<128x128xf32, #tpu.memory_space<vmem>>, %arg14: memref<512x128xf32, #tpu.memory_space<vmem>>, %arg15: memref<128xf32, #tpu.memory_space<vmem>>, %arg16: memref<128xf32, #tpu.memory_space<vmem>>, %arg17: memref<128xf32, #tpu.memory_space<vmem>>, %arg18: memref<!tpu.dma_semaphore, #tpu.memory_space<semaphore_mem>>, %arg19: memref<!tpu.dma_semaphore, #tpu.memory_space<semaphore_mem>>) attributes {dimension_semantics = [#tpu.dimension_semantics<core_parallel>, #tpu.dimension_semantics<subcore_parallel>], iteration_bounds = array<i64: 2, 16>, scalar_prefetch = 0 : i64, scratch_operands = 10 : i64, tpu.core_type = #tpu.core_type<sc_vector_subcore>, window_params = [{transform_indices = #map}, {transform_indices = #map}, {transform_indices = #map1}, {transform_indices = #map1}, {transform_indices = #map1}, {transform_indices = #map}, {transform_indices = #map}, {transform_indices = #map1}]} {
    %mul3A = arith.constant 2 : i32
    %mul3A_0 = arith.muli %arg1, %mul3A : i32
    %add3A = arith.addi %mul3A_0, %arg0 : i32
    %mul3A_1 = arith.constant 6400 : i32
    %mul3A_2 = arith.muli %add3A, %mul3A_1 : i32
    %iota3A = tpu.iota {dimensions = array<i32: 0>} : vector<16xi32>
    "tpu.region"() ({
      %run_scoped3A_58 = tpu.sem_alloc : memref<!tpu.dma_semaphore, #tpu.memory_space<semaphore_mem>>
      %dma_start3A_59 = tpu.memref_slice %arg3[%mul3A_2] : memref<204800xi32, #tpu.memory_space<hbm>> -> memref<6400xi32, #tpu.memory_space<hbm>>
      %dma_start3A_60 = tpu.memref_slice %arg3[%mul3A_2] : memref<204800xi32, #tpu.memory_space<hbm>> -> memref<6400xi32, #tpu.memory_space<hbm>>
      tpu.enqueue_dma source(%dma_start3A_60 : memref<6400xi32, #tpu.memory_space<hbm>>) target(%arg10 : memref<6400xi32, #tpu.memory_space<vmem>>) target_semaphore(%run_scoped3A_58 : memref<!tpu.dma_semaphore, #tpu.memory_space<semaphore_mem>>)
      %dma_wait3A = tpu.memref_slice %arg3[%mul3A_2] : memref<204800xi32, #tpu.memory_space<hbm>> -> memref<6400xi32, #tpu.memory_space<hbm>>
      %dma_wait3A_61 = tpu.memref_slice %arg3[%mul3A_2] : memref<204800xi32, #tpu.memory_space<hbm>> -> memref<6400xi32, #tpu.memory_space<hbm>>
      tpu.wait_dma2 semaphore(%run_scoped3A_58 : memref<!tpu.dma_semaphore, #tpu.memory_space<semaphore_mem>>) src(%dma_wait3A_61 : memref<6400xi32, #tpu.memory_space<hbm>>) dst(%arg10 : memref<6400xi32, #tpu.memory_space<vmem>>)
      tpu.yield
    }) : () -> ()
    "tpu.region"() ({
      %run_scoped3A_58 = tpu.sem_alloc : memref<!tpu.dma_semaphore, #tpu.memory_space<semaphore_mem>>
      %dma_start3A_59 = tpu.memref_slice %arg2[%mul3A_2] : memref<204800xi32, #tpu.memory_space<hbm>> -> memref<6400xi32, #tpu.memory_space<hbm>>
      %dma_start3A_60 = tpu.memref_slice %arg2[%mul3A_2] : memref<204800xi32, #tpu.memory_space<hbm>> -> memref<6400xi32, #tpu.memory_space<hbm>>
      tpu.enqueue_dma source(%dma_start3A_60 : memref<6400xi32, #tpu.memory_space<hbm>>) target(%arg11 : memref<6400xi32, #tpu.memory_space<vmem>>) target_semaphore(%run_scoped3A_58 : memref<!tpu.dma_semaphore, #tpu.memory_space<semaphore_mem>>)
      %dma_wait3A = tpu.memref_slice %arg2[%mul3A_2] : memref<204800xi32, #tpu.memory_space<hbm>> -> memref<6400xi32, #tpu.memory_space<hbm>>
      %dma_wait3A_61 = tpu.memref_slice %arg2[%mul3A_2] : memref<204800xi32, #tpu.memory_space<hbm>> -> memref<6400xi32, #tpu.memory_space<hbm>>
      tpu.wait_dma2 semaphore(%run_scoped3A_58 : memref<!tpu.dma_semaphore, #tpu.memory_space<semaphore_mem>>) src(%dma_wait3A_61 : memref<6400xi32, #tpu.memory_space<hbm>>) dst(%arg11 : memref<6400xi32, #tpu.memory_space<vmem>>)
      tpu.yield
    }) : () -> ()
    "tpu.region"() ({
      %run_scoped3A_58 = tpu.sem_alloc : memref<!tpu.dma_semaphore, #tpu.memory_space<semaphore_mem>>
      tpu.enqueue_dma source(%arg5 : memref<512x128xf32, #tpu.memory_space<hbm>>) target(%arg14 : memref<512x128xf32, #tpu.memory_space<vmem>>) target_semaphore(%run_scoped3A_58 : memref<!tpu.dma_semaphore, #tpu.memory_space<semaphore_mem>>)
      tpu.wait_dma2 semaphore(%run_scoped3A_58 : memref<!tpu.dma_semaphore, #tpu.memory_space<semaphore_mem>>) src(%arg5 : memref<512x128xf32, #tpu.memory_space<hbm>>) dst(%arg14 : memref<512x128xf32, #tpu.memory_space<vmem>>)
      tpu.yield
    }) : () -> ()
    "tpu.region"() ({
      %run_scoped3A_58 = tpu.sem_alloc : memref<!tpu.dma_semaphore, #tpu.memory_space<semaphore_mem>>
      tpu.enqueue_dma source(%arg7 : memref<128xf32, #tpu.memory_space<hbm>>) target(%arg15 : memref<128xf32, #tpu.memory_space<vmem>>) target_semaphore(%run_scoped3A_58 : memref<!tpu.dma_semaphore, #tpu.memory_space<semaphore_mem>>)
      tpu.wait_dma2 semaphore(%run_scoped3A_58 : memref<!tpu.dma_semaphore, #tpu.memory_space<semaphore_mem>>) src(%arg7 : memref<128xf32, #tpu.memory_space<hbm>>) dst(%arg15 : memref<128xf32, #tpu.memory_space<vmem>>)
      tpu.yield
    }) : () -> ()
    "tpu.region"() ({
      %run_scoped3A_58 = tpu.sem_alloc : memref<!tpu.dma_semaphore, #tpu.memory_space<semaphore_mem>>
      tpu.enqueue_dma source(%arg8 : memref<128xf32, #tpu.memory_space<hbm>>) target(%arg16 : memref<128xf32, #tpu.memory_space<vmem>>) target_semaphore(%run_scoped3A_58 : memref<!tpu.dma_semaphore, #tpu.memory_space<semaphore_mem>>)
      tpu.wait_dma2 semaphore(%run_scoped3A_58 : memref<!tpu.dma_semaphore, #tpu.memory_space<semaphore_mem>>) src(%arg8 : memref<128xf32, #tpu.memory_space<hbm>>) dst(%arg16 : memref<128xf32, #tpu.memory_space<vmem>>)
      tpu.yield
    }) : () -> ()
    %run_scoped3A = arith.constant 0 : i32
    "tpu.region"() ({
      %run_scoped3A_58 = tpu.sem_alloc : memref<!tpu.dma_semaphore, #tpu.memory_space<semaphore_mem>>
      %dma_start3A_59 = arith.constant 0 : i32
      %dma_start3A_60 = tpu.memref_slice %arg6[%run_scoped3A, %dma_start3A_59] : memref<2x128xf32, #tpu.memory_space<hbm>> -> memref<1x128xf32, #tpu.memory_space<hbm>>
      %dma_start3A_61 = tpu.memref_squeeze %dma_start3A_60 : memref<1x128xf32, #tpu.memory_space<hbm>> -> memref<128xf32, #tpu.memory_space<hbm>>
      %dma_start3A_62 = arith.constant 0 : i32
      %dma_start3A_63 = tpu.memref_slice %arg6[%run_scoped3A, %dma_start3A_62] : memref<2x128xf32, #tpu.memory_space<hbm>> -> memref<1x128xf32, #tpu.memory_space<hbm>>
      %dma_start3A_64 = tpu.memref_squeeze %dma_start3A_63 : memref<1x128xf32, #tpu.memory_space<hbm>> -> memref<128xf32, #tpu.memory_space<hbm>>
      tpu.enqueue_dma source(%dma_start3A_64 : memref<128xf32, #tpu.memory_space<hbm>>) target(%arg17 : memref<128xf32, #tpu.memory_space<vmem>>) target_semaphore(%run_scoped3A_58 : memref<!tpu.dma_semaphore, #tpu.memory_space<semaphore_mem>>)
      %dma_wait3A = arith.constant 0 : i32
      %dma_wait3A_65 = tpu.memref_slice %arg6[%run_scoped3A, %dma_wait3A] : memref<2x128xf32, #tpu.memory_space<hbm>> -> memref<1x128xf32, #tpu.memory_space<hbm>>
      %dma_wait3A_66 = tpu.memref_squeeze %dma_wait3A_65 : memref<1x128xf32, #tpu.memory_space<hbm>> -> memref<128xf32, #tpu.memory_space<hbm>>
      %dma_wait3A_67 = arith.constant 0 : i32
      %dma_wait3A_68 = tpu.memref_slice %arg6[%run_scoped3A, %dma_wait3A_67] : memref<2x128xf32, #tpu.memory_space<hbm>> -> memref<1x128xf32, #tpu.memory_space<hbm>>
      %dma_wait3A_69 = tpu.memref_squeeze %dma_wait3A_68 : memref<1x128xf32, #tpu.memory_space<hbm>> -> memref<128xf32, #tpu.memory_space<hbm>>
      tpu.wait_dma2 semaphore(%run_scoped3A_58 : memref<!tpu.dma_semaphore, #tpu.memory_space<semaphore_mem>>) src(%dma_wait3A_69 : memref<128xf32, #tpu.memory_space<hbm>>) dst(%arg17 : memref<128xf32, #tpu.memory_space<vmem>>)
      tpu.yield
    }) : () -> ()
    %get3A = arith.constant 0 : index
    %get3A_3 = tpu.vector_load %arg17[%get3A] {strides = array<i32>} : memref<128xf32, #tpu.memory_space<vmem>>, vector<16xf32>,
    %get3A_4 = arith.constant 16 : index
    %get3A_5 = tpu.vector_load %arg17[%get3A_4] {strides = array<i32>} : memref<128xf32, #tpu.memory_space<vmem>>, vector<16xf32>,
    %get3A_6 = arith.constant 32 : index
    %get3A_7 = tpu.vector_load %arg17[%get3A_6] {strides = array<i32>} : memref<128xf32, #tpu.memory_space<vmem>>, vector<16xf32>,
    %get3A_8 = arith.constant 48 : index
    %get3A_9 = tpu.vector_load %arg17[%get3A_8] {strides = array<i32>} : memref<128xf32, #tpu.memory_space<vmem>>, vector<16xf32>,
    %get3A_10 = arith.constant 64 : index
    %get3A_11 = tpu.vector_load %arg17[%get3A_10] {strides = array<i32>} : memref<128xf32, #tpu.memory_space<vmem>>, vector<16xf32>,
    %get3A_12 = arith.constant 80 : index
    %get3A_13 = tpu.vector_load %arg17[%get3A_12] {strides = array<i32>} : memref<128xf32, #tpu.memory_space<vmem>>, vector<16xf32>,
    %get3A_14 = arith.constant 96 : index
    %get3A_15 = tpu.vector_load %arg17[%get3A_14] {strides = array<i32>} : memref<128xf32, #tpu.memory_space<vmem>>, vector<16xf32>,
    %get3A_16 = arith.constant 112 : index
    %get3A_17 = tpu.vector_load %arg17[%get3A_16] {strides = array<i32>} : memref<128xf32, #tpu.memory_space<vmem>>, vector<16xf32>,
    %get3A_18 = arith.constant 0 : index
    %get3A_19 = tpu.vector_load %arg15[%get3A_18] {strides = array<i32>} : memref<128xf32, #tpu.memory_space<vmem>>, vector<16xf32>,
    %get3A_20 = arith.constant 16 : index
    %get3A_21 = tpu.vector_load %arg15[%get3A_20] {strides = array<i32>} : memref<128xf32, #tpu.memory_space<vmem>>, vector<16xf32>,
    %get3A_22 = arith.constant 32 : index
    %get3A_23 = tpu.vector_load %arg15[%get3A_22] {strides = array<i32>} : memref<128xf32, #tpu.memory_space<vmem>>, vector<16xf32>,
    %get3A_24 = arith.constant 48 : index
    %get3A_25 = tpu.vector_load %arg15[%get3A_24] {strides = array<i32>} : memref<128xf32, #tpu.memory_space<vmem>>, vector<16xf32>,
    %get3A_26 = arith.constant 64 : index
    %get3A_27 = tpu.vector_load %arg15[%get3A_26] {strides = array<i32>} : memref<128xf32, #tpu.memory_space<vmem>>, vector<16xf32>,
    %get3A_28 = arith.constant 80 : index
    %get3A_29 = tpu.vector_load %arg15[%get3A_28] {strides = array<i32>} : memref<128xf32, #tpu.memory_space<vmem>>, vector<16xf32>,
    %get3A_30 = arith.constant 96 : index
    %get3A_31 = tpu.vector_load %arg15[%get3A_30] {strides = array<i32>} : memref<128xf32, #tpu.memory_space<vmem>>, vector<16xf32>,
    %get3A_32 = arith.constant 112 : index
    %get3A_33 = tpu.vector_load %arg15[%get3A_32] {strides = array<i32>} : memref<128xf32, #tpu.memory_space<vmem>>, vector<16xf32>,
    %get3A_34 = arith.constant 0 : index
    %get3A_35 = tpu.vector_load %arg16[%get3A_34] {strides = array<i32>} : memref<128xf32, #tpu.memory_space<vmem>>, vector<16xf32>,
    %get3A_36 = arith.constant 16 : index
    %get3A_37 = tpu.vector_load %arg16[%get3A_36] {strides = array<i32>} : memref<128xf32, #tpu.memory_space<vmem>>, vector<16xf32>,
    %get3A_38 = arith.constant 32 : index
    %get3A_39 = tpu.vector_load %arg16[%get3A_38] {strides = array<i32>} : memref<128xf32, #tpu.memory_space<vmem>>, vector<16xf32>,
    %get3A_40 = arith.constant 48 : index
    %get3A_41 = tpu.vector_load %arg16[%get3A_40] {strides = array<i32>} : memref<128xf32, #tpu.memory_space<vmem>>, vector<16xf32>,
    %get3A_42 = arith.constant 64 : index
    %get3A_43 = tpu.vector_load %arg16[%get3A_42] {strides = array<i32>} : memref<128xf32, #tpu.memory_space<vmem>>, vector<16xf32>,
    %get3A_44 = arith.constant 80 : index
    %get3A_45 = tpu.vector_load %arg16[%get3A_44] {strides = array<i32>} : memref<128xf32, #tpu.memory_space<vmem>>, vector<16xf32>,
    %get3A_46 = arith.constant 96 : index
    %get3A_47 = tpu.vector_load %arg16[%get3A_46] {strides = array<i32>} : memref<128xf32, #tpu.memory_space<vmem>>, vector<16xf32>,
    %get3A_48 = arith.constant 112 : index
    %get3A_49 = tpu.vector_load %arg16[%get3A_48] {strides = array<i32>} : memref<128xf32, #tpu.memory_space<vmem>>, vector<16xf32>,
    %dma_start3A = arith.constant 0 : i32
    %dma_start3A_50 = tpu.memref_slice %arg10[%dma_start3A] : memref<6400xi32, #tpu.memory_space<vmem>> -> memref<128xi32, #tpu.memory_space<vmem>>
    %dma_start3A_51 = arith.constant 0 : i32
    %dma_start3A_52 = arith.constant 0 : i32
    %dma_start3A_53 = tpu.memref_slice %arg4[%dma_start3A_51, %dma_start3A_52] : memref<1000000x128xf32, #tpu.memory_space<hbm>> -> memref<1000000x128xf32, #tpu.memory_space<hbm>>
    tpu.enqueue_indirect_dma source(%dma_start3A_53 : memref<1000000x128xf32, #tpu.memory_space<hbm>>) target(%arg12 : memref<128x128xf32, #tpu.memory_space<vmem>>) offsets(%dma_start3A_50 : memref<128xi32, #tpu.memory_space<vmem>>) semaphore(%arg18 : memref<!tpu.dma_semaphore, #tpu.memory_space<semaphore_mem>>)
    %scan3A = arith.constant 0 : i32
    %scan3A_54 = arith.constant 25 : i32
    %scan3A_55 = arith.addi %scan3A, %scan3A_54 : i32
    %scan3A_56 = arith.constant 1 : i32
    scf.for %scan3A_58 = %scan3A to %scan3A_55 step %scan3A_56  : i32 {
      %mul3A_59 = arith.constant 2 : i32
      %mul3A_60 = arith.muli %scan3A_58, %mul3A_59 : i32
      %add3A_61 = arith.constant 0 : i32
      %add3A_62 = arith.addi %add3A_61, %mul3A_60 : i32
      %add3A_63 = arith.constant 1 : i32
      %add3A_64 = arith.addi %add3A_62, %add3A_63 : i32
      %mul3A_65 = arith.constant 128 : i32
      %mul3A_66 = arith.muli %add3A_64, %mul3A_65 : i32
      %dma_start3A_67 = tpu.memref_slice %arg10[%mul3A_66] : memref<6400xi32, #tpu.memory_space<vmem>> -> memref<128xi32, #tpu.memory_space<vmem>>
      %dma_start3A_68 = arith.constant 0 : i32
      %dma_start3A_69 = arith.constant 0 : i32
      %dma_start3A_70 = tpu.memref_slice %arg4[%dma_start3A_68, %dma_start3A_69] : memref<1000000x128xf32, #tpu.memory_space<hbm>> -> memref<1000000x128xf32, #tpu.memory_space<hbm>>
      tpu.enqueue_indirect_dma source(%dma_start3A_70 : memref<1000000x128xf32, #tpu.memory_space<hbm>>) target(%arg13 : memref<128x128xf32, #tpu.memory_space<vmem>>) offsets(%dma_start3A_67 : memref<128xi32, #tpu.memory_space<vmem>>) semaphore(%arg19 : memref<!tpu.dma_semaphore, #tpu.memory_space<semaphore_mem>>)
      %dma_wait3A = arith.constant 0 : i32
      %dma_wait3A_71 = tpu.memref_slice %arg10[%dma_wait3A] : memref<6400xi32, #tpu.memory_space<vmem>> -> memref<128xi32, #tpu.memory_space<vmem>>
      %dma_wait3A_72 = arith.constant 0 : i32
      %dma_wait3A_73 = arith.constant 0 : i32
      %dma_wait3A_74 = tpu.memref_slice %arg4[%dma_wait3A_72, %dma_wait3A_73] : memref<1000000x128xf32, #tpu.memory_space<hbm>> -> memref<1000000x128xf32, #tpu.memory_space<hbm>>
      tpu.wait_indirect_dma semaphore(%arg18 : memref<!tpu.dma_semaphore, #tpu.memory_space<semaphore_mem>>) src(%dma_wait3A_74 : memref<1000000x128xf32, #tpu.memory_space<hbm>>) dst(%arg12 : memref<128x128xf32, #tpu.memory_space<vmem>>)
      %add3A_75 = arith.constant 0 : i32
      %add3A_76 = vector.broadcast %add3A_75 : i32 to vector<16xi32>
      %add3A_77 = arith.addi %iota3A, %add3A_76 : vector<16xi32>
      %add3A_78 = arith.constant 16 : i32
      %add3A_79 = vector.broadcast %add3A_78 : i32 to vector<16xi32>
      %add3A_80 = arith.addi %iota3A, %add3A_79 : vector<16xi32>
      %add3A_81 = arith.constant 32 : i32
      %add3A_82 = vector.broadcast %add3A_81 : i32 to vector<16xi32>
      %add3A_83 = arith.addi %iota3A, %add3A_82 : vector<16xi32>
      %add3A_84 = arith.constant 48 : i32
      %add3A_85 = vector.broadcast %add3A_84 : i32 to vector<16xi32>
      %add3A_86 = arith.addi %iota3A, %add3A_85 : vector<16xi32>
      %add3A_87 = arith.constant 64 : i32
      %add3A_88 = vector.broadcast %add3A_87 : i32 to vector<16xi32>
      %add3A_89 = arith.addi %iota3A, %add3A_88 : vector<16xi32>
      %add3A_90 = arith.constant 80 : i32
      %add3A_91 = vector.broadcast %add3A_90 : i32 to vector<16xi32>
      %add3A_92 = arith.addi %iota3A, %add3A_91 : vector<16xi32>
      %add3A_93 = arith.constant 96 : i32
      %add3A_94 = vector.broadcast %add3A_93 : i32 to vector<16xi32>
      %add3A_95 = arith.addi %iota3A, %add3A_94 : vector<16xi32>
      %add3A_96 = arith.constant 112 : i32
      %add3A_97 = vector.broadcast %add3A_96 : i32 to vector<16xi32>
      %add3A_98 = arith.addi %iota3A, %add3A_97 : vector<16xi32>
      %scan3A_99 = arith.constant 0 : i32
      %scan3A_100 = arith.constant 128 : i32
      %scan3A_101 = arith.addi %scan3A_99, %scan3A_100 : i32
      %scan3A_102 = arith.constant 2 : i32
      scf.for %scan3A_150 = %scan3A_99 to %scan3A_101 step %scan3A_102  : i32 {
        %mul3A_151 = arith.constant 1 : i32
        %mul3A_152 = arith.muli %scan3A_150, %mul3A_151 : i32
        %add3A_153 = arith.constant 0 : i32
        %add3A_154 = arith.addi %add3A_153, %mul3A_152 : i32
        %broadcast_in_dim3A = vector.broadcast %add3A_154 : i32 to vector<16xi32>
        %mul3A_155 = arith.constant 128 : i32
        %mul3A_156 = arith.muli %add3A_62, %mul3A_155 : i32
        %broadcast_in_dim3A_157 = vector.broadcast %mul3A_156 : i32 to vector<16xi32>
        %add3A_158 = arith.addi %broadcast_in_dim3A_157, %broadcast_in_dim3A : vector<16xi32>
        %gather3A = tpu.vector_load_idx %arg11[%add3A_158] : memref<6400xi32, #tpu.memory_space<vmem>>[vector<16xi32>], vector<16xi32>,
        %gather3A_159 = tpu.vector_load_idx %arg12[%broadcast_in_dim3A, %add3A_77] : memref<128x128xf32, #tpu.memory_space<vmem>>[vector<16xi32>, vector<16xi32>], vector<16xf32>,
        %gather3A_160 = tpu.vector_load_idx %arg14[%gather3A, %add3A_77] : memref<512x128xf32, #tpu.memory_space<vmem>>[vector<16xi32>, vector<16xi32>], vector<16xf32>,
        %add3A_161 = arith.addf %gather3A_159, %gather3A_160 : vector<16xf32>
        %add3A_162 = arith.addf %add3A_161, %get3A_3 : vector<16xf32>
        %gather3A_163 = tpu.vector_load_idx %arg12[%broadcast_in_dim3A, %add3A_80] : memref<128x128xf32, #tpu.memory_space<vmem>>[vector<16xi32>, vector<16xi32>], vector<16xf32>,
        %gather3A_164 = tpu.vector_load_idx %arg14[%gather3A, %add3A_80] : memref<512x128xf32, #tpu.memory_space<vmem>>[vector<16xi32>, vector<16xi32>], vector<16xf32>,
        %add3A_165 = arith.addf %gather3A_163, %gather3A_164 : vector<16xf32>
        %add3A_166 = arith.addf %add3A_165, %get3A_5 : vector<16xf32>
        %gather3A_167 = tpu.vector_load_idx %arg12[%broadcast_in_dim3A, %add3A_83] : memref<128x128xf32, #tpu.memory_space<vmem>>[vector<16xi32>, vector<16xi32>], vector<16xf32>,
        %gather3A_168 = tpu.vector_load_idx %arg14[%gather3A, %add3A_83] : memref<512x128xf32, #tpu.memory_space<vmem>>[vector<16xi32>, vector<16xi32>], vector<16xf32>,
        %add3A_169 = arith.addf %gather3A_167, %gather3A_168 : vector<16xf32>
        %add3A_170 = arith.addf %add3A_169, %get3A_7 : vector<16xf32>
        %gather3A_171 = tpu.vector_load_idx %arg12[%broadcast_in_dim3A, %add3A_86] : memref<128x128xf32, #tpu.memory_space<vmem>>[vector<16xi32>, vector<16xi32>], vector<16xf32>,
        %gather3A_172 = tpu.vector_load_idx %arg14[%gather3A, %add3A_86] : memref<512x128xf32, #tpu.memory_space<vmem>>[vector<16xi32>, vector<16xi32>], vector<16xf32>,
        %add3A_173 = arith.addf %gather3A_171, %gather3A_172 : vector<16xf32>
        %add3A_174 = arith.addf %add3A_173, %get3A_9 : vector<16xf32>
        %gather3A_175 = tpu.vector_load_idx %arg12[%broadcast_in_dim3A, %add3A_89] : memref<128x128xf32, #tpu.memory_space<vmem>>[vector<16xi32>, vector<16xi32>], vector<16xf32>,
        %gather3A_176 = tpu.vector_load_idx %arg14[%gather3A, %add3A_89] : memref<512x128xf32, #tpu.memory_space<vmem>>[vector<16xi32>, vector<16xi32>], vector<16xf32>,
        %add3A_177 = arith.addf %gather3A_175, %gather3A_176 : vector<16xf32>
        %add3A_178 = arith.addf %add3A_177, %get3A_11 : vector<16xf32>
        %gather3A_179 = tpu.vector_load_idx %arg12[%broadcast_in_dim3A, %add3A_92] : memref<128x128xf32, #tpu.memory_space<vmem>>[vector<16xi32>, vector<16xi32>], vector<16xf32>,
        %gather3A_180 = tpu.vector_load_idx %arg14[%gather3A, %add3A_92] : memref<512x128xf32, #tpu.memory_space<vmem>>[vector<16xi32>, vector<16xi32>], vector<16xf32>,
        %add3A_181 = arith.addf %gather3A_179, %gather3A_180 : vector<16xf32>
        %add3A_182 = arith.addf %add3A_181, %get3A_13 : vector<16xf32>
        %gather3A_183 = tpu.vector_load_idx %arg12[%broadcast_in_dim3A, %add3A_95] : memref<128x128xf32, #tpu.memory_space<vmem>>[vector<16xi32>, vector<16xi32>], vector<16xf32>,
        %gather3A_184 = tpu.vector_load_idx %arg14[%gather3A, %add3A_95] : memref<512x128xf32, #tpu.memory_space<vmem>>[vector<16xi32>, vector<16xi32>], vector<16xf32>,
        %add3A_185 = arith.addf %gather3A_183, %gather3A_184 : vector<16xf32>
        %add3A_186 = arith.addf %add3A_185, %get3A_15 : vector<16xf32>
        %gather3A_187 = tpu.vector_load_idx %arg12[%broadcast_in_dim3A, %add3A_98] : memref<128x128xf32, #tpu.memory_space<vmem>>[vector<16xi32>, vector<16xi32>], vector<16xf32>,
        %gather3A_188 = tpu.vector_load_idx %arg14[%gather3A, %add3A_98] : memref<512x128xf32, #tpu.memory_space<vmem>>[vector<16xi32>, vector<16xi32>], vector<16xf32>,
        %add3A_189 = arith.addf %gather3A_187, %gather3A_188 : vector<16xf32>
        %add3A_190 = arith.addf %add3A_189, %get3A_17 : vector<16xf32>
        %add3A_191 = arith.addf %add3A_162, %add3A_166 : vector<16xf32>
        %add3A_192 = arith.addf %add3A_170, %add3A_174 : vector<16xf32>
        %add3A_193 = arith.addf %add3A_178, %add3A_182 : vector<16xf32>
        %add3A_194 = arith.addf %add3A_186, %add3A_190 : vector<16xf32>
        %add3A_195 = arith.addf %add3A_191, %add3A_192 : vector<16xf32>
        %add3A_196 = arith.addf %add3A_193, %add3A_194 : vector<16xf32>
        %add3A_197 = arith.addf %add3A_195, %add3A_196 : vector<16xf32>
        %mul3A_198 = arith.mulf %add3A_162, %add3A_162 : vector<16xf32>
        %mul3A_199 = arith.mulf %add3A_166, %add3A_166 : vector<16xf32>
        %add3A_200 = arith.addf %mul3A_198, %mul3A_199 : vector<16xf32>
        %mul3A_201 = arith.mulf %add3A_170, %add3A_170 : vector<16xf32>
        %mul3A_202 = arith.mulf %add3A_174, %add3A_174 : vector<16xf32>
        %add3A_203 = arith.addf %mul3A_201, %mul3A_202 : vector<16xf32>
        %mul3A_204 = arith.mulf %add3A_178, %add3A_178 : vector<16xf32>
        %mul3A_205 = arith.mulf %add3A_182, %add3A_182 : vector<16xf32>
        %add3A_206 = arith.addf %mul3A_204, %mul3A_205 : vector<16xf32>
        %mul3A_207 = arith.mulf %add3A_186, %add3A_186 : vector<16xf32>
        %mul3A_208 = arith.mulf %add3A_190, %add3A_190 : vector<16xf32>
        %add3A_209 = arith.addf %mul3A_207, %mul3A_208 : vector<16xf32>
        %add3A_210 = arith.addf %add3A_200, %add3A_203 : vector<16xf32>
        %add3A_211 = arith.addf %add3A_206, %add3A_209 : vector<16xf32>
        %add3A_212 = arith.addf %add3A_210, %add3A_211 : vector<16xf32>
        %reduce_sum3A = arith.constant true
        %reduce_sum3A_213 = vector.broadcast %reduce_sum3A : i1 to vector<16xi1>
        %reduce_sum3A_214 = tpu.scan <sum>, %add3A_197 masked %reduce_sum3A_213 : vector<16xf32>, vector<16xi1> -> vector<16xf32>
        %reduce_sum3A_215 = vector.extract %reduce_sum3A_214[15] : f32 from vector<16xf32>
        %reduce_sum3A_216 = arith.constant true
        %reduce_sum3A_217 = vector.broadcast %reduce_sum3A_216 : i1 to vector<16xi1>
        %reduce_sum3A_218 = tpu.scan <sum>, %add3A_212 masked %reduce_sum3A_217 : vector<16xf32>, vector<16xi1> -> vector<16xf32>
        %reduce_sum3A_219 = vector.extract %reduce_sum3A_218[15] : f32 from vector<16xf32>
        %mul3A_220 = arith.constant 7.812500e-03 : f32
        %mul3A_221 = arith.mulf %reduce_sum3A_215, %mul3A_220 : f32
        %mul3A_222 = arith.constant 7.812500e-03 : f32
        %mul3A_223 = arith.mulf %reduce_sum3A_219, %mul3A_222 : f32
        %mul3A_224 = arith.mulf %mul3A_221, %mul3A_221 : f32
        %sub3A = arith.subf %mul3A_223, %mul3A_224 : f32
        %add3A_225 = arith.constant 9.99999996E-13 : f32
        %add3A_226 = arith.addf %sub3A, %add3A_225 : f32
        %bitcast_convert_type3A = arith.bitcast %add3A_226 : f32 to i32
        %shift_right_arithmetic3A = arith.constant 1 : i32
        %shift_right_arithmetic3A_227 = arith.shrsi %bitcast_convert_type3A, %shift_right_arithmetic3A : i32
        %sub3A_228 = arith.constant 1597463007 : i32
        %sub3A_229 = arith.subi %sub3A_228, %shift_right_arithmetic3A_227 : i32
        %bitcast_convert_type3A_230 = arith.bitcast %sub3A_229 : i32 to f32
        %mul3A_231 = arith.constant 5.000000e-01 : f32
        %mul3A_232 = arith.mulf %mul3A_231, %add3A_226 : f32
        %mul3A_233 = arith.mulf %mul3A_232, %bitcast_convert_type3A_230 : f32
        %mul3A_234 = arith.mulf %mul3A_233, %bitcast_convert_type3A_230 : f32
        %sub3A_235 = arith.constant 1.500000e+00 : f32
        %sub3A_236 = arith.subf %sub3A_235, %mul3A_234 : f32
        %mul3A_237 = arith.mulf %bitcast_convert_type3A_230, %sub3A_236 : f32
        %mul3A_238 = arith.constant 5.000000e-01 : f32
        %mul3A_239 = arith.mulf %mul3A_238, %add3A_226 : f32
        %mul3A_240 = arith.mulf %mul3A_239, %mul3A_237 : f32
        %mul3A_241 = arith.mulf %mul3A_240, %mul3A_237 : f32
        %sub3A_242 = arith.constant 1.500000e+00 : f32
        %sub3A_243 = arith.subf %sub3A_242, %mul3A_241 : f32
        %mul3A_244 = arith.mulf %mul3A_237, %sub3A_243 : f32
        %mul3A_245 = arith.constant 5.000000e-01 : f32
        %mul3A_246 = arith.mulf %mul3A_245, %add3A_226 : f32
        %mul3A_247 = arith.mulf %mul3A_246, %mul3A_244 : f32
        %mul3A_248 = arith.mulf %mul3A_247, %mul3A_244 : f32
        %sub3A_249 = arith.constant 1.500000e+00 : f32
        %sub3A_250 = arith.subf %sub3A_249, %mul3A_248 : f32
        %mul3A_251 = arith.mulf %mul3A_244, %sub3A_250 : f32
        %broadcast_in_dim3A_252 = vector.broadcast %mul3A_221 : f32 to vector<16xf32>
        %broadcast_in_dim3A_253 = vector.broadcast %mul3A_251 : f32 to vector<16xf32>
        %sub3A_254 = arith.subf %add3A_162, %broadcast_in_dim3A_252 : vector<16xf32>
        %mul3A_255 = arith.mulf %sub3A_254, %broadcast_in_dim3A_253 : vector<16xf32>
        %mul3A_256 = arith.mulf %mul3A_255, %get3A_19 : vector<16xf32>
        %add3A_257 = arith.addf %mul3A_256, %get3A_35 : vector<16xf32>
        tpu.vector_store_idx %arg12[%broadcast_in_dim3A, %add3A_77], %add3A_257 : memref<128x128xf32, #tpu.memory_space<vmem>>[vector<16xi32>, vector<16xi32>], vector<16xf32>,
        %sub3A_258 = arith.subf %add3A_166, %broadcast_in_dim3A_252 : vector<16xf32>
        %mul3A_259 = arith.mulf %sub3A_258, %broadcast_in_dim3A_253 : vector<16xf32>
        %mul3A_260 = arith.mulf %mul3A_259, %get3A_21 : vector<16xf32>
        %add3A_261 = arith.addf %mul3A_260, %get3A_37 : vector<16xf32>
        tpu.vector_store_idx %arg12[%broadcast_in_dim3A, %add3A_80], %add3A_261 : memref<128x128xf32, #tpu.memory_space<vmem>>[vector<16xi32>, vector<16xi32>], vector<16xf32>,
        %sub3A_262 = arith.subf %add3A_170, %broadcast_in_dim3A_252 : vector<16xf32>
        %mul3A_263 = arith.mulf %sub3A_262, %broadcast_in_dim3A_253 : vector<16xf32>
        %mul3A_264 = arith.mulf %mul3A_263, %get3A_23 : vector<16xf32>
        %add3A_265 = arith.addf %mul3A_264, %get3A_39 : vector<16xf32>
        tpu.vector_store_idx %arg12[%broadcast_in_dim3A, %add3A_83], %add3A_265 : memref<128x128xf32, #tpu.memory_space<vmem>>[vector<16xi32>, vector<16xi32>], vector<16xf32>,
        %sub3A_266 = arith.subf %add3A_174, %broadcast_in_dim3A_252 : vector<16xf32>
        %mul3A_267 = arith.mulf %sub3A_266, %broadcast_in_dim3A_253 : vector<16xf32>
        %mul3A_268 = arith.mulf %mul3A_267, %get3A_25 : vector<16xf32>
        %add3A_269 = arith.addf %mul3A_268, %get3A_41 : vector<16xf32>
        tpu.vector_store_idx %arg12[%broadcast_in_dim3A, %add3A_86], %add3A_269 : memref<128x128xf32, #tpu.memory_space<vmem>>[vector<16xi32>, vector<16xi32>], vector<16xf32>,
        %sub3A_270 = arith.subf %add3A_178, %broadcast_in_dim3A_252 : vector<16xf32>
        %mul3A_271 = arith.mulf %sub3A_270, %broadcast_in_dim3A_253 : vector<16xf32>
        %mul3A_272 = arith.mulf %mul3A_271, %get3A_27 : vector<16xf32>
        %add3A_273 = arith.addf %mul3A_272, %get3A_43 : vector<16xf32>
        tpu.vector_store_idx %arg12[%broadcast_in_dim3A, %add3A_89], %add3A_273 : memref<128x128xf32, #tpu.memory_space<vmem>>[vector<16xi32>, vector<16xi32>], vector<16xf32>,
        %sub3A_274 = arith.subf %add3A_182, %broadcast_in_dim3A_252 : vector<16xf32>
        %mul3A_275 = arith.mulf %sub3A_274, %broadcast_in_dim3A_253 : vector<16xf32>
        %mul3A_276 = arith.mulf %mul3A_275, %get3A_29 : vector<16xf32>
        %add3A_277 = arith.addf %mul3A_276, %get3A_45 : vector<16xf32>
        tpu.vector_store_idx %arg12[%broadcast_in_dim3A, %add3A_92], %add3A_277 : memref<128x128xf32, #tpu.memory_space<vmem>>[vector<16xi32>, vector<16xi32>], vector<16xf32>,
        %sub3A_278 = arith.subf %add3A_186, %broadcast_in_dim3A_252 : vector<16xf32>
        %mul3A_279 = arith.mulf %sub3A_278, %broadcast_in_dim3A_253 : vector<16xf32>
        %mul3A_280 = arith.mulf %mul3A_279, %get3A_31 : vector<16xf32>
        %add3A_281 = arith.addf %mul3A_280, %get3A_47 : vector<16xf32>
        tpu.vector_store_idx %arg12[%broadcast_in_dim3A, %add3A_95], %add3A_281 : memref<128x128xf32, #tpu.memory_space<vmem>>[vector<16xi32>, vector<16xi32>], vector<16xf32>,
        %sub3A_282 = arith.subf %add3A_190, %broadcast_in_dim3A_252 : vector<16xf32>
        %mul3A_283 = arith.mulf %sub3A_282, %broadcast_in_dim3A_253 : vector<16xf32>
        %mul3A_284 = arith.mulf %mul3A_283, %get3A_33 : vector<16xf32>
        %add3A_285 = arith.addf %mul3A_284, %get3A_49 : vector<16xf32>
        tpu.vector_store_idx %arg12[%broadcast_in_dim3A, %add3A_98], %add3A_285 : memref<128x128xf32, #tpu.memory_space<vmem>>[vector<16xi32>, vector<16xi32>], vector<16xf32>,
        %scan3A_286 = arith.constant 1 : i32
        %scan3A_287 = arith.addi %scan3A_150, %scan3A_286 : i32
        %mul3A_288 = arith.constant 1 : i32
        %mul3A_289 = arith.muli %scan3A_287, %mul3A_288 : i32
        %add3A_290 = arith.constant 0 : i32
        %add3A_291 = arith.addi %add3A_290, %mul3A_289 : i32
        %broadcast_in_dim3A_292 = vector.broadcast %add3A_291 : i32 to vector<16xi32>
        %mul3A_293 = arith.constant 128 : i32
        %mul3A_294 = arith.muli %add3A_62, %mul3A_293 : i32
        %broadcast_in_dim3A_295 = vector.broadcast %mul3A_294 : i32 to vector<16xi32>
        %add3A_296 = arith.addi %broadcast_in_dim3A_295, %broadcast_in_dim3A_292 : vector<16xi32>
        %gather3A_297 = tpu.vector_load_idx %arg11[%add3A_296] : memref<6400xi32, #tpu.memory_space<vmem>>[vector<16xi32>], vector<16xi32>,
        %gather3A_298 = tpu.vector_load_idx %arg12[%broadcast_in_dim3A_292, %add3A_77] : memref<128x128xf32, #tpu.memory_space<vmem>>[vector<16xi32>, vector<16xi32>], vector<16xf32>,
        %gather3A_299 = tpu.vector_load_idx %arg14[%gather3A_297, %add3A_77] : memref<512x128xf32, #tpu.memory_space<vmem>>[vector<16xi32>, vector<16xi32>], vector<16xf32>,
        %add3A_300 = arith.addf %gather3A_298, %gather3A_299 : vector<16xf32>
        %add3A_301 = arith.addf %add3A_300, %get3A_3 : vector<16xf32>
        %gather3A_302 = tpu.vector_load_idx %arg12[%broadcast_in_dim3A_292, %add3A_80] : memref<128x128xf32, #tpu.memory_space<vmem>>[vector<16xi32>, vector<16xi32>], vector<16xf32>,
        %gather3A_303 = tpu.vector_load_idx %arg14[%gather3A_297, %add3A_80] : memref<512x128xf32, #tpu.memory_space<vmem>>[vector<16xi32>, vector<16xi32>], vector<16xf32>,
        %add3A_304 = arith.addf %gather3A_302, %gather3A_303 : vector<16xf32>
        %add3A_305 = arith.addf %add3A_304, %get3A_5 : vector<16xf32>
        %gather3A_306 = tpu.vector_load_idx %arg12[%broadcast_in_dim3A_292, %add3A_83] : memref<128x128xf32, #tpu.memory_space<vmem>>[vector<16xi32>, vector<16xi32>], vector<16xf32>,
        %gather3A_307 = tpu.vector_load_idx %arg14[%gather3A_297, %add3A_83] : memref<512x128xf32, #tpu.memory_space<vmem>>[vector<16xi32>, vector<16xi32>], vector<16xf32>,
        %add3A_308 = arith.addf %gather3A_306, %gather3A_307 : vector<16xf32>
        %add3A_309 = arith.addf %add3A_308, %get3A_7 : vector<16xf32>
        %gather3A_310 = tpu.vector_load_idx %arg12[%broadcast_in_dim3A_292, %add3A_86] : memref<128x128xf32, #tpu.memory_space<vmem>>[vector<16xi32>, vector<16xi32>], vector<16xf32>,
        %gather3A_311 = tpu.vector_load_idx %arg14[%gather3A_297, %add3A_86] : memref<512x128xf32, #tpu.memory_space<vmem>>[vector<16xi32>, vector<16xi32>], vector<16xf32>,
        %add3A_312 = arith.addf %gather3A_310, %gather3A_311 : vector<16xf32>
        %add3A_313 = arith.addf %add3A_312, %get3A_9 : vector<16xf32>
        %gather3A_314 = tpu.vector_load_idx %arg12[%broadcast_in_dim3A_292, %add3A_89] : memref<128x128xf32, #tpu.memory_space<vmem>>[vector<16xi32>, vector<16xi32>], vector<16xf32>,
        %gather3A_315 = tpu.vector_load_idx %arg14[%gather3A_297, %add3A_89] : memref<512x128xf32, #tpu.memory_space<vmem>>[vector<16xi32>, vector<16xi32>], vector<16xf32>,
        %add3A_316 = arith.addf %gather3A_314, %gather3A_315 : vector<16xf32>
        %add3A_317 = arith.addf %add3A_316, %get3A_11 : vector<16xf32>
        %gather3A_318 = tpu.vector_load_idx %arg12[%broadcast_in_dim3A_292, %add3A_92] : memref<128x128xf32, #tpu.memory_space<vmem>>[vector<16xi32>, vector<16xi32>], vector<16xf32>,
        %gather3A_319 = tpu.vector_load_idx %arg14[%gather3A_297, %add3A_92] : memref<512x128xf32, #tpu.memory_space<vmem>>[vector<16xi32>, vector<16xi32>], vector<16xf32>,
        %add3A_320 = arith.addf %gather3A_318, %gather3A_319 : vector<16xf32>
        %add3A_321 = arith.addf %add3A_320, %get3A_13 : vector<16xf32>
        %gather3A_322 = tpu.vector_load_idx %arg12[%broadcast_in_dim3A_292, %add3A_95] : memref<128x128xf32, #tpu.memory_space<vmem>>[vector<16xi32>, vector<16xi32>], vector<16xf32>,
        %gather3A_323 = tpu.vector_load_idx %arg14[%gather3A_297, %add3A_95] : memref<512x128xf32, #tpu.memory_space<vmem>>[vector<16xi32>, vector<16xi32>], vector<16xf32>,
        %add3A_324 = arith.addf %gather3A_322, %gather3A_323 : vector<16xf32>
        %add3A_325 = arith.addf %add3A_324, %get3A_15 : vector<16xf32>
        %gather3A_326 = tpu.vector_load_idx %arg12[%broadcast_in_dim3A_292, %add3A_98] : memref<128x128xf32, #tpu.memory_space<vmem>>[vector<16xi32>, vector<16xi32>], vector<16xf32>,
        %gather3A_327 = tpu.vector_load_idx %arg14[%gather3A_297, %add3A_98] : memref<512x128xf32, #tpu.memory_space<vmem>>[vector<16xi32>, vector<16xi32>], vector<16xf32>,
        %add3A_328 = arith.addf %gather3A_326, %gather3A_327 : vector<16xf32>
        %add3A_329 = arith.addf %add3A_328, %get3A_17 : vector<16xf32>
        %add3A_330 = arith.addf %add3A_301, %add3A_305 : vector<16xf32>
        %add3A_331 = arith.addf %add3A_309, %add3A_313 : vector<16xf32>
        %add3A_332 = arith.addf %add3A_317, %add3A_321 : vector<16xf32>
        %add3A_333 = arith.addf %add3A_325, %add3A_329 : vector<16xf32>
        %add3A_334 = arith.addf %add3A_330, %add3A_331 : vector<16xf32>
        %add3A_335 = arith.addf %add3A_332, %add3A_333 : vector<16xf32>
        %add3A_336 = arith.addf %add3A_334, %add3A_335 : vector<16xf32>
        %mul3A_337 = arith.mulf %add3A_301, %add3A_301 : vector<16xf32>
        %mul3A_338 = arith.mulf %add3A_305, %add3A_305 : vector<16xf32>
        %add3A_339 = arith.addf %mul3A_337, %mul3A_338 : vector<16xf32>
        %mul3A_340 = arith.mulf %add3A_309, %add3A_309 : vector<16xf32>
        %mul3A_341 = arith.mulf %add3A_313, %add3A_313 : vector<16xf32>
        %add3A_342 = arith.addf %mul3A_340, %mul3A_341 : vector<16xf32>
        %mul3A_343 = arith.mulf %add3A_317, %add3A_317 : vector<16xf32>
        %mul3A_344 = arith.mulf %add3A_321, %add3A_321 : vector<16xf32>
        %add3A_345 = arith.addf %mul3A_343, %mul3A_344 : vector<16xf32>
        %mul3A_346 = arith.mulf %add3A_325, %add3A_325 : vector<16xf32>
        %mul3A_347 = arith.mulf %add3A_329, %add3A_329 : vector<16xf32>
        %add3A_348 = arith.addf %mul3A_346, %mul3A_347 : vector<16xf32>
        %add3A_349 = arith.addf %add3A_339, %add3A_342 : vector<16xf32>
        %add3A_350 = arith.addf %add3A_345, %add3A_348 : vector<16xf32>
        %add3A_351 = arith.addf %add3A_349, %add3A_350 : vector<16xf32>
        %reduce_sum3A_352 = arith.constant true
        %reduce_sum3A_353 = vector.broadcast %reduce_sum3A_352 : i1 to vector<16xi1>
        %reduce_sum3A_354 = tpu.scan <sum>, %add3A_336 masked %reduce_sum3A_353 : vector<16xf32>, vector<16xi1> -> vector<16xf32>
        %reduce_sum3A_355 = vector.extract %reduce_sum3A_354[15] : f32 from vector<16xf32>
        %reduce_sum3A_356 = arith.constant true
        %reduce_sum3A_357 = vector.broadcast %reduce_sum3A_356 : i1 to vector<16xi1>
        %reduce_sum3A_358 = tpu.scan <sum>, %add3A_351 masked %reduce_sum3A_357 : vector<16xf32>, vector<16xi1> -> vector<16xf32>
        %reduce_sum3A_359 = vector.extract %reduce_sum3A_358[15] : f32 from vector<16xf32>
        %mul3A_360 = arith.constant 7.812500e-03 : f32
        %mul3A_361 = arith.mulf %reduce_sum3A_355, %mul3A_360 : f32
        %mul3A_362 = arith.constant 7.812500e-03 : f32
        %mul3A_363 = arith.mulf %reduce_sum3A_359, %mul3A_362 : f32
        %mul3A_364 = arith.mulf %mul3A_361, %mul3A_361 : f32
        %sub3A_365 = arith.subf %mul3A_363, %mul3A_364 : f32
        %add3A_366 = arith.constant 9.99999996E-13 : f32
        %add3A_367 = arith.addf %sub3A_365, %add3A_366 : f32
        %bitcast_convert_type3A_368 = arith.bitcast %add3A_367 : f32 to i32
        %shift_right_arithmetic3A_369 = arith.constant 1 : i32
        %shift_right_arithmetic3A_370 = arith.shrsi %bitcast_convert_type3A_368, %shift_right_arithmetic3A_369 : i32
        %sub3A_371 = arith.constant 1597463007 : i32
        %sub3A_372 = arith.subi %sub3A_371, %shift_right_arithmetic3A_370 : i32
        %bitcast_convert_type3A_373 = arith.bitcast %sub3A_372 : i32 to f32
        %mul3A_374 = arith.constant 5.000000e-01 : f32
        %mul3A_375 = arith.mulf %mul3A_374, %add3A_367 : f32
        %mul3A_376 = arith.mulf %mul3A_375, %bitcast_convert_type3A_373 : f32
        %mul3A_377 = arith.mulf %mul3A_376, %bitcast_convert_type3A_373 : f32
        %sub3A_378 = arith.constant 1.500000e+00 : f32
        %sub3A_379 = arith.subf %sub3A_378, %mul3A_377 : f32
        %mul3A_380 = arith.mulf %bitcast_convert_type3A_373, %sub3A_379 : f32
        %mul3A_381 = arith.constant 5.000000e-01 : f32
        %mul3A_382 = arith.mulf %mul3A_381, %add3A_367 : f32
        %mul3A_383 = arith.mulf %mul3A_382, %mul3A_380 : f32
        %mul3A_384 = arith.mulf %mul3A_383, %mul3A_380 : f32
        %sub3A_385 = arith.constant 1.500000e+00 : f32
        %sub3A_386 = arith.subf %sub3A_385, %mul3A_384 : f32
        %mul3A_387 = arith.mulf %mul3A_380, %sub3A_386 : f32
        %mul3A_388 = arith.constant 5.000000e-01 : f32
        %mul3A_389 = arith.mulf %mul3A_388, %add3A_367 : f32
        %mul3A_390 = arith.mulf %mul3A_389, %mul3A_387 : f32
        %mul3A_391 = arith.mulf %mul3A_390, %mul3A_387 : f32
        %sub3A_392 = arith.constant 1.500000e+00 : f32
        %sub3A_393 = arith.subf %sub3A_392, %mul3A_391 : f32
        %mul3A_394 = arith.mulf %mul3A_387, %sub3A_393 : f32
        %broadcast_in_dim3A_395 = vector.broadcast %mul3A_361 : f32 to vector<16xf32>
        %broadcast_in_dim3A_396 = vector.broadcast %mul3A_394 : f32 to vector<16xf32>
        %sub3A_397 = arith.subf %add3A_301, %broadcast_in_dim3A_395 : vector<16xf32>
        %mul3A_398 = arith.mulf %sub3A_397, %broadcast_in_dim3A_396 : vector<16xf32>
        %mul3A_399 = arith.mulf %mul3A_398, %get3A_19 : vector<16xf32>
        %add3A_400 = arith.addf %mul3A_399, %get3A_35 : vector<16xf32>
        tpu.vector_store_idx %arg12[%broadcast_in_dim3A_292, %add3A_77], %add3A_400 : memref<128x128xf32, #tpu.memory_space<vmem>>[vector<16xi32>, vector<16xi32>], vector<16xf32>,
        %sub3A_401 = arith.subf %add3A_305, %broadcast_in_dim3A_395 : vector<16xf32>
        %mul3A_402 = arith.mulf %sub3A_401, %broadcast_in_dim3A_396 : vector<16xf32>
        %mul3A_403 = arith.mulf %mul3A_402, %get3A_21 : vector<16xf32>
        %add3A_404 = arith.addf %mul3A_403, %get3A_37 : vector<16xf32>
        tpu.vector_store_idx %arg12[%broadcast_in_dim3A_292, %add3A_80], %add3A_404 : memref<128x128xf32, #tpu.memory_space<vmem>>[vector<16xi32>, vector<16xi32>], vector<16xf32>,
        %sub3A_405 = arith.subf %add3A_309, %broadcast_in_dim3A_395 : vector<16xf32>
        %mul3A_406 = arith.mulf %sub3A_405, %broadcast_in_dim3A_396 : vector<16xf32>
        %mul3A_407 = arith.mulf %mul3A_406, %get3A_23 : vector<16xf32>
        %add3A_408 = arith.addf %mul3A_407, %get3A_39 : vector<16xf32>
        tpu.vector_store_idx %arg12[%broadcast_in_dim3A_292, %add3A_83], %add3A_408 : memref<128x128xf32, #tpu.memory_space<vmem>>[vector<16xi32>, vector<16xi32>], vector<16xf32>,
        %sub3A_409 = arith.subf %add3A_313, %broadcast_in_dim3A_395 : vector<16xf32>
        %mul3A_410 = arith.mulf %sub3A_409, %broadcast_in_dim3A_396 : vector<16xf32>
        %mul3A_411 = arith.mulf %mul3A_410, %get3A_25 : vector<16xf32>
        %add3A_412 = arith.addf %mul3A_411, %get3A_41 : vector<16xf32>
        tpu.vector_store_idx %arg12[%broadcast_in_dim3A_292, %add3A_86], %add3A_412 : memref<128x128xf32, #tpu.memory_space<vmem>>[vector<16xi32>, vector<16xi32>], vector<16xf32>,
        %sub3A_413 = arith.subf %add3A_317, %broadcast_in_dim3A_395 : vector<16xf32>
        %mul3A_414 = arith.mulf %sub3A_413, %broadcast_in_dim3A_396 : vector<16xf32>
        %mul3A_415 = arith.mulf %mul3A_414, %get3A_27 : vector<16xf32>
        %add3A_416 = arith.addf %mul3A_415, %get3A_43 : vector<16xf32>
        tpu.vector_store_idx %arg12[%broadcast_in_dim3A_292, %add3A_89], %add3A_416 : memref<128x128xf32, #tpu.memory_space<vmem>>[vector<16xi32>, vector<16xi32>], vector<16xf32>,
        %sub3A_417 = arith.subf %add3A_321, %broadcast_in_dim3A_395 : vector<16xf32>
        %mul3A_418 = arith.mulf %sub3A_417, %broadcast_in_dim3A_396 : vector<16xf32>
        %mul3A_419 = arith.mulf %mul3A_418, %get3A_29 : vector<16xf32>
        %add3A_420 = arith.addf %mul3A_419, %get3A_45 : vector<16xf32>
        tpu.vector_store_idx %arg12[%broadcast_in_dim3A_292, %add3A_92], %add3A_420 : memref<128x128xf32, #tpu.memory_space<vmem>>[vector<16xi32>, vector<16xi32>], vector<16xf32>,
        %sub3A_421 = arith.subf %add3A_325, %broadcast_in_dim3A_395 : vector<16xf32>
        %mul3A_422 = arith.mulf %sub3A_421, %broadcast_in_dim3A_396 : vector<16xf32>
        %mul3A_423 = arith.mulf %mul3A_422, %get3A_31 : vector<16xf32>
        %add3A_424 = arith.addf %mul3A_423, %get3A_47 : vector<16xf32>
        tpu.vector_store_idx %arg12[%broadcast_in_dim3A_292, %add3A_95], %add3A_424 : memref<128x128xf32, #tpu.memory_space<vmem>>[vector<16xi32>, vector<16xi32>], vector<16xf32>,
        %sub3A_425 = arith.subf %add3A_329, %broadcast_in_dim3A_395 : vector<16xf32>
        %mul3A_426 = arith.mulf %sub3A_425, %broadcast_in_dim3A_396 : vector<16xf32>
        %mul3A_427 = arith.mulf %mul3A_426, %get3A_33 : vector<16xf32>
        %add3A_428 = arith.addf %mul3A_427, %get3A_49 : vector<16xf32>
        tpu.vector_store_idx %arg12[%broadcast_in_dim3A_292, %add3A_98], %add3A_428 : memref<128x128xf32, #tpu.memory_space<vmem>>[vector<16xi32>, vector<16xi32>], vector<16xf32>,
      }
      %scan3A_103 = arith.constant 128 : i32
      %mul3A_104 = arith.constant 128 : i32
      %mul3A_105 = arith.muli %add3A_62, %mul3A_104 : i32
      %add3A_106 = arith.addi %mul3A_2, %mul3A_105 : i32
      "tpu.region"() ({
        %run_scoped3A_150 = tpu.sem_alloc : memref<!tpu.dma_semaphore, #tpu.memory_space<semaphore_mem>>
        %dma_start3A_151 = arith.constant 0 : i32
        %dma_start3A_152 = tpu.memref_slice %arg9[%add3A_106, %dma_start3A_151] : memref<204800x128xf32, #tpu.memory_space<hbm>> -> memref<128x128xf32, #tpu.memory_space<hbm>>
        %dma_start3A_153 = arith.constant 0 : i32
        %dma_start3A_154 = tpu.memref_slice %arg9[%add3A_106, %dma_start3A_153] : memref<204800x128xf32, #tpu.memory_space<hbm>> -> memref<128x128xf32, #tpu.memory_space<hbm>>
        tpu.enqueue_dma source(%arg12 : memref<128x128xf32, #tpu.memory_space<vmem>>) target(%dma_start3A_154 : memref<128x128xf32, #tpu.memory_space<hbm>>) target_semaphore(%run_scoped3A_150 : memref<!tpu.dma_semaphore, #tpu.memory_space<semaphore_mem>>)
        %dma_wait3A_155 = arith.constant 0 : i32
        %dma_wait3A_156 = tpu.memref_slice %arg9[%add3A_106, %dma_wait3A_155] : memref<204800x128xf32, #tpu.memory_space<hbm>> -> memref<128x128xf32, #tpu.memory_space<hbm>>
        %dma_wait3A_157 = arith.constant 0 : i32
        %dma_wait3A_158 = tpu.memref_slice %arg9[%add3A_106, %dma_wait3A_157] : memref<204800x128xf32, #tpu.memory_space<hbm>> -> memref<128x128xf32, #tpu.memory_space<hbm>>
        tpu.wait_dma2 semaphore(%run_scoped3A_150 : memref<!tpu.dma_semaphore, #tpu.memory_space<semaphore_mem>>) src(%arg12 : memref<128x128xf32, #tpu.memory_space<vmem>>) dst(%dma_wait3A_158 : memref<128x128xf32, #tpu.memory_space<hbm>>)
        tpu.yield
      }) : () -> ()
      %add3A_107 = arith.constant 2 : i32
      %add3A_108 = arith.addi %add3A_62, %add3A_107 : i32
      %lt3A = arith.constant 50 : i32
      %lt3A_109 = arith.cmpi slt, %add3A_108, %lt3A : i32
      %convert_element_type3A = arith.extui %lt3A_109 : i1 to i32
      %cond3A = arith.constant 0 : i32
      %cond3A_110 = arith.cmpi ne, %convert_element_type3A, %cond3A : i32
      scf.if %cond3A_110 {
        %add3A_150 = arith.constant 2 : i32
        %add3A_151 = arith.addi %add3A_62, %add3A_150 : i32
        %mul3A_152 = arith.constant 128 : i32
        %mul3A_153 = arith.muli %add3A_151, %mul3A_152 : i32
        %dma_start3A_154 = tpu.memref_slice %arg10[%mul3A_153] : memref<6400xi32, #tpu.memory_space<vmem>> -> memref<128xi32, #tpu.memory_space<vmem>>
        %dma_start3A_155 = arith.constant 0 : i32
        %dma_start3A_156 = arith.constant 0 : i32
        %dma_start3A_157 = tpu.memref_slice %arg4[%dma_start3A_155, %dma_start3A_156] : memref<1000000x128xf32, #tpu.memory_space<hbm>> -> memref<1000000x128xf32, #tpu.memory_space<hbm>>
        tpu.enqueue_indirect_dma source(%dma_start3A_157 : memref<1000000x128xf32, #tpu.memory_space<hbm>>) target(%arg12 : memref<128x128xf32, #tpu.memory_space<vmem>>) offsets(%dma_start3A_154 : memref<128xi32, #tpu.memory_space<vmem>>) semaphore(%arg18 : memref<!tpu.dma_semaphore, #tpu.memory_space<semaphore_mem>>)
      } else {
      }
      %dma_wait3A_111 = arith.constant 0 : i32
      %dma_wait3A_112 = tpu.memref_slice %arg10[%dma_wait3A_111] : memref<6400xi32, #tpu.memory_space<vmem>> -> memref<128xi32, #tpu.memory_space<vmem>>
      %dma_wait3A_113 = arith.constant 0 : i32
      %dma_wait3A_114 = arith.constant 0 : i32
      %dma_wait3A_115 = tpu.memref_slice %arg4[%dma_wait3A_113, %dma_wait3A_114] : memref<1000000x128xf32, #tpu.memory_space<hbm>> -> memref<1000000x128xf32, #tpu.memory_space<hbm>>
      tpu.wait_indirect_dma semaphore(%arg19 : memref<!tpu.dma_semaphore, #tpu.memory_space<semaphore_mem>>) src(%dma_wait3A_115 : memref<1000000x128xf32, #tpu.memory_space<hbm>>) dst(%arg13 : memref<128x128xf32, #tpu.memory_space<vmem>>)
      %add3A_116 = arith.constant 1 : i32
      %add3A_117 = arith.addi %add3A_62, %add3A_116 : i32
      %add3A_118 = arith.constant 0 : i32
      %add3A_119 = vector.broadcast %add3A_118 : i32 to vector<16xi32>
      %add3A_120 = arith.addi %iota3A, %add3A_119 : vector<16xi32>
      %add3A_121 = arith.constant 16 : i32
      %add3A_122 = vector.broadcast %add3A_121 : i32 to vector<16xi32>
      %add3A_123 = arith.addi %iota3A, %add3A_122 : vector<16xi32>
      %add3A_124 = arith.constant 32 : i32
      %add3A_125 = vector.broadcast %add3A_124 : i32 to vector<16xi32>
      %add3A_126 = arith.addi %iota3A, %add3A_125 : vector<16xi32>
      %add3A_127 = arith.constant 48 : i32
      %add3A_128 = vector.broadcast %add3A_127 : i32 to vector<16xi32>
      %add3A_129 = arith.addi %iota3A, %add3A_128 : vector<16xi32>
      %add3A_130 = arith.constant 64 : i32
      %add3A_131 = vector.broadcast %add3A_130 : i32 to vector<16xi32>
      %add3A_132 = arith.addi %iota3A, %add3A_131 : vector<16xi32>
      %add3A_133 = arith.constant 80 : i32
      %add3A_134 = vector.broadcast %add3A_133 : i32 to vector<16xi32>
      %add3A_135 = arith.addi %iota3A, %add3A_134 : vector<16xi32>
      %add3A_136 = arith.constant 96 : i32
      %add3A_137 = vector.broadcast %add3A_136 : i32 to vector<16xi32>
      %add3A_138 = arith.addi %iota3A, %add3A_137 : vector<16xi32>
      %add3A_139 = arith.constant 112 : i32
      %add3A_140 = vector.broadcast %add3A_139 : i32 to vector<16xi32>
      %add3A_141 = arith.addi %iota3A, %add3A_140 : vector<16xi32>
      %scan3A_142 = arith.constant 0 : i32
      %scan3A_143 = arith.constant 128 : i32
      %scan3A_144 = arith.addi %scan3A_142, %scan3A_143 : i32
      %scan3A_145 = arith.constant 2 : i32
      scf.for %scan3A_150 = %scan3A_142 to %scan3A_144 step %scan3A_145  : i32 {
        %mul3A_151 = arith.constant 1 : i32
        %mul3A_152 = arith.muli %scan3A_150, %mul3A_151 : i32
        %add3A_153 = arith.constant 0 : i32
        %add3A_154 = arith.addi %add3A_153, %mul3A_152 : i32
        %broadcast_in_dim3A = vector.broadcast %add3A_154 : i32 to vector<16xi32>
        %mul3A_155 = arith.constant 128 : i32
        %mul3A_156 = arith.muli %add3A_117, %mul3A_155 : i32
        %broadcast_in_dim3A_157 = vector.broadcast %mul3A_156 : i32 to vector<16xi32>
        %add3A_158 = arith.addi %broadcast_in_dim3A_157, %broadcast_in_dim3A : vector<16xi32>
        %gather3A = tpu.vector_load_idx %arg11[%add3A_158] : memref<6400xi32, #tpu.memory_space<vmem>>[vector<16xi32>], vector<16xi32>,
        %gather3A_159 = tpu.vector_load_idx %arg13[%broadcast_in_dim3A, %add3A_120] : memref<128x128xf32, #tpu.memory_space<vmem>>[vector<16xi32>, vector<16xi32>], vector<16xf32>,
        %gather3A_160 = tpu.vector_load_idx %arg14[%gather3A, %add3A_120] : memref<512x128xf32, #tpu.memory_space<vmem>>[vector<16xi32>, vector<16xi32>], vector<16xf32>,
        %add3A_161 = arith.addf %gather3A_159, %gather3A_160 : vector<16xf32>
        %add3A_162 = arith.addf %add3A_161, %get3A_3 : vector<16xf32>
        %gather3A_163 = tpu.vector_load_idx %arg13[%broadcast_in_dim3A, %add3A_123] : memref<128x128xf32, #tpu.memory_space<vmem>>[vector<16xi32>, vector<16xi32>], vector<16xf32>,
        %gather3A_164 = tpu.vector_load_idx %arg14[%gather3A, %add3A_123] : memref<512x128xf32, #tpu.memory_space<vmem>>[vector<16xi32>, vector<16xi32>], vector<16xf32>,
        %add3A_165 = arith.addf %gather3A_163, %gather3A_164 : vector<16xf32>
        %add3A_166 = arith.addf %add3A_165, %get3A_5 : vector<16xf32>
        %gather3A_167 = tpu.vector_load_idx %arg13[%broadcast_in_dim3A, %add3A_126] : memref<128x128xf32, #tpu.memory_space<vmem>>[vector<16xi32>, vector<16xi32>], vector<16xf32>,
        %gather3A_168 = tpu.vector_load_idx %arg14[%gather3A, %add3A_126] : memref<512x128xf32, #tpu.memory_space<vmem>>[vector<16xi32>, vector<16xi32>], vector<16xf32>,
        %add3A_169 = arith.addf %gather3A_167, %gather3A_168 : vector<16xf32>
        %add3A_170 = arith.addf %add3A_169, %get3A_7 : vector<16xf32>
        %gather3A_171 = tpu.vector_load_idx %arg13[%broadcast_in_dim3A, %add3A_129] : memref<128x128xf32, #tpu.memory_space<vmem>>[vector<16xi32>, vector<16xi32>], vector<16xf32>,
        %gather3A_172 = tpu.vector_load_idx %arg14[%gather3A, %add3A_129] : memref<512x128xf32, #tpu.memory_space<vmem>>[vector<16xi32>, vector<16xi32>], vector<16xf32>,
        %add3A_173 = arith.addf %gather3A_171, %gather3A_172 : vector<16xf32>
        %add3A_174 = arith.addf %add3A_173, %get3A_9 : vector<16xf32>
        %gather3A_175 = tpu.vector_load_idx %arg13[%broadcast_in_dim3A, %add3A_132] : memref<128x128xf32, #tpu.memory_space<vmem>>[vector<16xi32>, vector<16xi32>], vector<16xf32>,
        %gather3A_176 = tpu.vector_load_idx %arg14[%gather3A, %add3A_132] : memref<512x128xf32, #tpu.memory_space<vmem>>[vector<16xi32>, vector<16xi32>], vector<16xf32>,
        %add3A_177 = arith.addf %gather3A_175, %gather3A_176 : vector<16xf32>
        %add3A_178 = arith.addf %add3A_177, %get3A_11 : vector<16xf32>
        %gather3A_179 = tpu.vector_load_idx %arg13[%broadcast_in_dim3A, %add3A_135] : memref<128x128xf32, #tpu.memory_space<vmem>>[vector<16xi32>, vector<16xi32>], vector<16xf32>,
        %gather3A_180 = tpu.vector_load_idx %arg14[%gather3A, %add3A_135] : memref<512x128xf32, #tpu.memory_space<vmem>>[vector<16xi32>, vector<16xi32>], vector<16xf32>,
        %add3A_181 = arith.addf %gather3A_179, %gather3A_180 : vector<16xf32>
        %add3A_182 = arith.addf %add3A_181, %get3A_13 : vector<16xf32>
        %gather3A_183 = tpu.vector_load_idx %arg13[%broadcast_in_dim3A, %add3A_138] : memref<128x128xf32, #tpu.memory_space<vmem>>[vector<16xi32>, vector<16xi32>], vector<16xf32>,
        %gather3A_184 = tpu.vector_load_idx %arg14[%gather3A, %add3A_138] : memref<512x128xf32, #tpu.memory_space<vmem>>[vector<16xi32>, vector<16xi32>], vector<16xf32>,
        %add3A_185 = arith.addf %gather3A_183, %gather3A_184 : vector<16xf32>
        %add3A_186 = arith.addf %add3A_185, %get3A_15 : vector<16xf32>
        %gather3A_187 = tpu.vector_load_idx %arg13[%broadcast_in_dim3A, %add3A_141] : memref<128x128xf32, #tpu.memory_space<vmem>>[vector<16xi32>, vector<16xi32>], vector<16xf32>,
        %gather3A_188 = tpu.vector_load_idx %arg14[%gather3A, %add3A_141] : memref<512x128xf32, #tpu.memory_space<vmem>>[vector<16xi32>, vector<16xi32>], vector<16xf32>,
        %add3A_189 = arith.addf %gather3A_187, %gather3A_188 : vector<16xf32>
        %add3A_190 = arith.addf %add3A_189, %get3A_17 : vector<16xf32>
        %add3A_191 = arith.addf %add3A_162, %add3A_166 : vector<16xf32>
        %add3A_192 = arith.addf %add3A_170, %add3A_174 : vector<16xf32>
        %add3A_193 = arith.addf %add3A_178, %add3A_182 : vector<16xf32>
        %add3A_194 = arith.addf %add3A_186, %add3A_190 : vector<16xf32>
        %add3A_195 = arith.addf %add3A_191, %add3A_192 : vector<16xf32>
        %add3A_196 = arith.addf %add3A_193, %add3A_194 : vector<16xf32>
        %add3A_197 = arith.addf %add3A_195, %add3A_196 : vector<16xf32>
        %mul3A_198 = arith.mulf %add3A_162, %add3A_162 : vector<16xf32>
        %mul3A_199 = arith.mulf %add3A_166, %add3A_166 : vector<16xf32>
        %add3A_200 = arith.addf %mul3A_198, %mul3A_199 : vector<16xf32>
        %mul3A_201 = arith.mulf %add3A_170, %add3A_170 : vector<16xf32>
        %mul3A_202 = arith.mulf %add3A_174, %add3A_174 : vector<16xf32>
        %add3A_203 = arith.addf %mul3A_201, %mul3A_202 : vector<16xf32>
        %mul3A_204 = arith.mulf %add3A_178, %add3A_178 : vector<16xf32>
        %mul3A_205 = arith.mulf %add3A_182, %add3A_182 : vector<16xf32>
        %add3A_206 = arith.addf %mul3A_204, %mul3A_205 : vector<16xf32>
        %mul3A_207 = arith.mulf %add3A_186, %add3A_186 : vector<16xf32>
        %mul3A_208 = arith.mulf %add3A_190, %add3A_190 : vector<16xf32>
        %add3A_209 = arith.addf %mul3A_207, %mul3A_208 : vector<16xf32>
        %add3A_210 = arith.addf %add3A_200, %add3A_203 : vector<16xf32>
        %add3A_211 = arith.addf %add3A_206, %add3A_209 : vector<16xf32>
        %add3A_212 = arith.addf %add3A_210, %add3A_211 : vector<16xf32>
        %reduce_sum3A = arith.constant true
        %reduce_sum3A_213 = vector.broadcast %reduce_sum3A : i1 to vector<16xi1>
        %reduce_sum3A_214 = tpu.scan <sum>, %add3A_197 masked %reduce_sum3A_213 : vector<16xf32>, vector<16xi1> -> vector<16xf32>
        %reduce_sum3A_215 = vector.extract %reduce_sum3A_214[15] : f32 from vector<16xf32>
        %reduce_sum3A_216 = arith.constant true
        %reduce_sum3A_217 = vector.broadcast %reduce_sum3A_216 : i1 to vector<16xi1>
        %reduce_sum3A_218 = tpu.scan <sum>, %add3A_212 masked %reduce_sum3A_217 : vector<16xf32>, vector<16xi1> -> vector<16xf32>
        %reduce_sum3A_219 = vector.extract %reduce_sum3A_218[15] : f32 from vector<16xf32>
        %mul3A_220 = arith.constant 7.812500e-03 : f32
        %mul3A_221 = arith.mulf %reduce_sum3A_215, %mul3A_220 : f32
        %mul3A_222 = arith.constant 7.812500e-03 : f32
        %mul3A_223 = arith.mulf %reduce_sum3A_219, %mul3A_222 : f32
        %mul3A_224 = arith.mulf %mul3A_221, %mul3A_221 : f32
        %sub3A = arith.subf %mul3A_223, %mul3A_224 : f32
        %add3A_225 = arith.constant 9.99999996E-13 : f32
        %add3A_226 = arith.addf %sub3A, %add3A_225 : f32
        %bitcast_convert_type3A = arith.bitcast %add3A_226 : f32 to i32
        %shift_right_arithmetic3A = arith.constant 1 : i32
        %shift_right_arithmetic3A_227 = arith.shrsi %bitcast_convert_type3A, %shift_right_arithmetic3A : i32
        %sub3A_228 = arith.constant 1597463007 : i32
        %sub3A_229 = arith.subi %sub3A_228, %shift_right_arithmetic3A_227 : i32
        %bitcast_convert_type3A_230 = arith.bitcast %sub3A_229 : i32 to f32
        %mul3A_231 = arith.constant 5.000000e-01 : f32
        %mul3A_232 = arith.mulf %mul3A_231, %add3A_226 : f32
        %mul3A_233 = arith.mulf %mul3A_232, %bitcast_convert_type3A_230 : f32
        %mul3A_234 = arith.mulf %mul3A_233, %bitcast_convert_type3A_230 : f32
        %sub3A_235 = arith.constant 1.500000e+00 : f32
        %sub3A_236 = arith.subf %sub3A_235, %mul3A_234 : f32
        %mul3A_237 = arith.mulf %bitcast_convert_type3A_230, %sub3A_236 : f32
        %mul3A_238 = arith.constant 5.000000e-01 : f32
        %mul3A_239 = arith.mulf %mul3A_238, %add3A_226 : f32
        %mul3A_240 = arith.mulf %mul3A_239, %mul3A_237 : f32
        %mul3A_241 = arith.mulf %mul3A_240, %mul3A_237 : f32
        %sub3A_242 = arith.constant 1.500000e+00 : f32
        %sub3A_243 = arith.subf %sub3A_242, %mul3A_241 : f32
        %mul3A_244 = arith.mulf %mul3A_237, %sub3A_243 : f32
        %mul3A_245 = arith.constant 5.000000e-01 : f32
        %mul3A_246 = arith.mulf %mul3A_245, %add3A_226 : f32
        %mul3A_247 = arith.mulf %mul3A_246, %mul3A_244 : f32
        %mul3A_248 = arith.mulf %mul3A_247, %mul3A_244 : f32
        %sub3A_249 = arith.constant 1.500000e+00 : f32
        %sub3A_250 = arith.subf %sub3A_249, %mul3A_248 : f32
        %mul3A_251 = arith.mulf %mul3A_244, %sub3A_250 : f32
        %broadcast_in_dim3A_252 = vector.broadcast %mul3A_221 : f32 to vector<16xf32>
        %broadcast_in_dim3A_253 = vector.broadcast %mul3A_251 : f32 to vector<16xf32>
        %sub3A_254 = arith.subf %add3A_162, %broadcast_in_dim3A_252 : vector<16xf32>
        %mul3A_255 = arith.mulf %sub3A_254, %broadcast_in_dim3A_253 : vector<16xf32>
        %mul3A_256 = arith.mulf %mul3A_255, %get3A_19 : vector<16xf32>
        %add3A_257 = arith.addf %mul3A_256, %get3A_35 : vector<16xf32>
        tpu.vector_store_idx %arg13[%broadcast_in_dim3A, %add3A_120], %add3A_257 : memref<128x128xf32, #tpu.memory_space<vmem>>[vector<16xi32>, vector<16xi32>], vector<16xf32>,
        %sub3A_258 = arith.subf %add3A_166, %broadcast_in_dim3A_252 : vector<16xf32>
        %mul3A_259 = arith.mulf %sub3A_258, %broadcast_in_dim3A_253 : vector<16xf32>
        %mul3A_260 = arith.mulf %mul3A_259, %get3A_21 : vector<16xf32>
        %add3A_261 = arith.addf %mul3A_260, %get3A_37 : vector<16xf32>
        tpu.vector_store_idx %arg13[%broadcast_in_dim3A, %add3A_123], %add3A_261 : memref<128x128xf32, #tpu.memory_space<vmem>>[vector<16xi32>, vector<16xi32>], vector<16xf32>,
        %sub3A_262 = arith.subf %add3A_170, %broadcast_in_dim3A_252 : vector<16xf32>
        %mul3A_263 = arith.mulf %sub3A_262, %broadcast_in_dim3A_253 : vector<16xf32>
        %mul3A_264 = arith.mulf %mul3A_263, %get3A_23 : vector<16xf32>
        %add3A_265 = arith.addf %mul3A_264, %get3A_39 : vector<16xf32>
        tpu.vector_store_idx %arg13[%broadcast_in_dim3A, %add3A_126], %add3A_265 : memref<128x128xf32, #tpu.memory_space<vmem>>[vector<16xi32>, vector<16xi32>], vector<16xf32>,
        %sub3A_266 = arith.subf %add3A_174, %broadcast_in_dim3A_252 : vector<16xf32>
        %mul3A_267 = arith.mulf %sub3A_266, %broadcast_in_dim3A_253 : vector<16xf32>
        %mul3A_268 = arith.mulf %mul3A_267, %get3A_25 : vector<16xf32>
        %add3A_269 = arith.addf %mul3A_268, %get3A_41 : vector<16xf32>
        tpu.vector_store_idx %arg13[%broadcast_in_dim3A, %add3A_129], %add3A_269 : memref<128x128xf32, #tpu.memory_space<vmem>>[vector<16xi32>, vector<16xi32>], vector<16xf32>,
        %sub3A_270 = arith.subf %add3A_178, %broadcast_in_dim3A_252 : vector<16xf32>
        %mul3A_271 = arith.mulf %sub3A_270, %broadcast_in_dim3A_253 : vector<16xf32>
        %mul3A_272 = arith.mulf %mul3A_271, %get3A_27 : vector<16xf32>
        %add3A_273 = arith.addf %mul3A_272, %get3A_43 : vector<16xf32>
        tpu.vector_store_idx %arg13[%broadcast_in_dim3A, %add3A_132], %add3A_273 : memref<128x128xf32, #tpu.memory_space<vmem>>[vector<16xi32>, vector<16xi32>], vector<16xf32>,
        %sub3A_274 = arith.subf %add3A_182, %broadcast_in_dim3A_252 : vector<16xf32>
        %mul3A_275 = arith.mulf %sub3A_274, %broadcast_in_dim3A_253 : vector<16xf32>
        %mul3A_276 = arith.mulf %mul3A_275, %get3A_29 : vector<16xf32>
        %add3A_277 = arith.addf %mul3A_276, %get3A_45 : vector<16xf32>
        tpu.vector_store_idx %arg13[%broadcast_in_dim3A, %add3A_135], %add3A_277 : memref<128x128xf32, #tpu.memory_space<vmem>>[vector<16xi32>, vector<16xi32>], vector<16xf32>,
        %sub3A_278 = arith.subf %add3A_186, %broadcast_in_dim3A_252 : vector<16xf32>
        %mul3A_279 = arith.mulf %sub3A_278, %broadcast_in_dim3A_253 : vector<16xf32>
        %mul3A_280 = arith.mulf %mul3A_279, %get3A_31 : vector<16xf32>
        %add3A_281 = arith.addf %mul3A_280, %get3A_47 : vector<16xf32>
        tpu.vector_store_idx %arg13[%broadcast_in_dim3A, %add3A_138], %add3A_281 : memref<128x128xf32, #tpu.memory_space<vmem>>[vector<16xi32>, vector<16xi32>], vector<16xf32>,
        %sub3A_282 = arith.subf %add3A_190, %broadcast_in_dim3A_252 : vector<16xf32>
        %mul3A_283 = arith.mulf %sub3A_282, %broadcast_in_dim3A_253 : vector<16xf32>
        %mul3A_284 = arith.mulf %mul3A_283, %get3A_33 : vector<16xf32>
        %add3A_285 = arith.addf %mul3A_284, %get3A_49 : vector<16xf32>
        tpu.vector_store_idx %arg13[%broadcast_in_dim3A, %add3A_141], %add3A_285 : memref<128x128xf32, #tpu.memory_space<vmem>>[vector<16xi32>, vector<16xi32>], vector<16xf32>,
        %scan3A_286 = arith.constant 1 : i32
        %scan3A_287 = arith.addi %scan3A_150, %scan3A_286 : i32
        %mul3A_288 = arith.constant 1 : i32
        %mul3A_289 = arith.muli %scan3A_287, %mul3A_288 : i32
        %add3A_290 = arith.constant 0 : i32
        %add3A_291 = arith.addi %add3A_290, %mul3A_289 : i32
        %broadcast_in_dim3A_292 = vector.broadcast %add3A_291 : i32 to vector<16xi32>
        %mul3A_293 = arith.constant 128 : i32
        %mul3A_294 = arith.muli %add3A_117, %mul3A_293 : i32
        %broadcast_in_dim3A_295 = vector.broadcast %mul3A_294 : i32 to vector<16xi32>
        %add3A_296 = arith.addi %broadcast_in_dim3A_295, %broadcast_in_dim3A_292 : vector<16xi32>
        %gather3A_297 = tpu.vector_load_idx %arg11[%add3A_296] : memref<6400xi32, #tpu.memory_space<vmem>>[vector<16xi32>], vector<16xi32>,
        %gather3A_298 = tpu.vector_load_idx %arg13[%broadcast_in_dim3A_292, %add3A_120] : memref<128x128xf32, #tpu.memory_space<vmem>>[vector<16xi32>, vector<16xi32>], vector<16xf32>,
        %gather3A_299 = tpu.vector_load_idx %arg14[%gather3A_297, %add3A_120] : memref<512x128xf32, #tpu.memory_space<vmem>>[vector<16xi32>, vector<16xi32>], vector<16xf32>,
        %add3A_300 = arith.addf %gather3A_298, %gather3A_299 : vector<16xf32>
        %add3A_301 = arith.addf %add3A_300, %get3A_3 : vector<16xf32>
        %gather3A_302 = tpu.vector_load_idx %arg13[%broadcast_in_dim3A_292, %add3A_123] : memref<128x128xf32, #tpu.memory_space<vmem>>[vector<16xi32>, vector<16xi32>], vector<16xf32>,
        %gather3A_303 = tpu.vector_load_idx %arg14[%gather3A_297, %add3A_123] : memref<512x128xf32, #tpu.memory_space<vmem>>[vector<16xi32>, vector<16xi32>], vector<16xf32>,
        %add3A_304 = arith.addf %gather3A_302, %gather3A_303 : vector<16xf32>
        %add3A_305 = arith.addf %add3A_304, %get3A_5 : vector<16xf32>
        %gather3A_306 = tpu.vector_load_idx %arg13[%broadcast_in_dim3A_292, %add3A_126] : memref<128x128xf32, #tpu.memory_space<vmem>>[vector<16xi32>, vector<16xi32>], vector<16xf32>,
        %gather3A_307 = tpu.vector_load_idx %arg14[%gather3A_297, %add3A_126] : memref<512x128xf32, #tpu.memory_space<vmem>>[vector<16xi32>, vector<16xi32>], vector<16xf32>,
        %add3A_308 = arith.addf %gather3A_306, %gather3A_307 : vector<16xf32>
        %add3A_309 = arith.addf %add3A_308, %get3A_7 : vector<16xf32>
        %gather3A_310 = tpu.vector_load_idx %arg13[%broadcast_in_dim3A_292, %add3A_129] : memref<128x128xf32, #tpu.memory_space<vmem>>[vector<16xi32>, vector<16xi32>], vector<16xf32>,
        %gather3A_311 = tpu.vector_load_idx %arg14[%gather3A_297, %add3A_129] : memref<512x128xf32, #tpu.memory_space<vmem>>[vector<16xi32>, vector<16xi32>], vector<16xf32>,
        %add3A_312 = arith.addf %gather3A_310, %gather3A_311 : vector<16xf32>
        %add3A_313 = arith.addf %add3A_312, %get3A_9 : vector<16xf32>
        %gather3A_314 = tpu.vector_load_idx %arg13[%broadcast_in_dim3A_292, %add3A_132] : memref<128x128xf32, #tpu.memory_space<vmem>>[vector<16xi32>, vector<16xi32>], vector<16xf32>,
        %gather3A_315 = tpu.vector_load_idx %arg14[%gather3A_297, %add3A_132] : memref<512x128xf32, #tpu.memory_space<vmem>>[vector<16xi32>, vector<16xi32>], vector<16xf32>,
        %add3A_316 = arith.addf %gather3A_314, %gather3A_315 : vector<16xf32>
        %add3A_317 = arith.addf %add3A_316, %get3A_11 : vector<16xf32>
        %gather3A_318 = tpu.vector_load_idx %arg13[%broadcast_in_dim3A_292, %add3A_135] : memref<128x128xf32, #tpu.memory_space<vmem>>[vector<16xi32>, vector<16xi32>], vector<16xf32>,
        %gather3A_319 = tpu.vector_load_idx %arg14[%gather3A_297, %add3A_135] : memref<512x128xf32, #tpu.memory_space<vmem>>[vector<16xi32>, vector<16xi32>], vector<16xf32>,
        %add3A_320 = arith.addf %gather3A_318, %gather3A_319 : vector<16xf32>
        %add3A_321 = arith.addf %add3A_320, %get3A_13 : vector<16xf32>
        %gather3A_322 = tpu.vector_load_idx %arg13[%broadcast_in_dim3A_292, %add3A_138] : memref<128x128xf32, #tpu.memory_space<vmem>>[vector<16xi32>, vector<16xi32>], vector<16xf32>,
        %gather3A_323 = tpu.vector_load_idx %arg14[%gather3A_297, %add3A_138] : memref<512x128xf32, #tpu.memory_space<vmem>>[vector<16xi32>, vector<16xi32>], vector<16xf32>,
        %add3A_324 = arith.addf %gather3A_322, %gather3A_323 : vector<16xf32>
        %add3A_325 = arith.addf %add3A_324, %get3A_15 : vector<16xf32>
        %gather3A_326 = tpu.vector_load_idx %arg13[%broadcast_in_dim3A_292, %add3A_141] : memref<128x128xf32, #tpu.memory_space<vmem>>[vector<16xi32>, vector<16xi32>], vector<16xf32>,
        %gather3A_327 = tpu.vector_load_idx %arg14[%gather3A_297, %add3A_141] : memref<512x128xf32, #tpu.memory_space<vmem>>[vector<16xi32>, vector<16xi32>], vector<16xf32>,
        %add3A_328 = arith.addf %gather3A_326, %gather3A_327 : vector<16xf32>
        %add3A_329 = arith.addf %add3A_328, %get3A_17 : vector<16xf32>
        %add3A_330 = arith.addf %add3A_301, %add3A_305 : vector<16xf32>
        %add3A_331 = arith.addf %add3A_309, %add3A_313 : vector<16xf32>
        %add3A_332 = arith.addf %add3A_317, %add3A_321 : vector<16xf32>
        %add3A_333 = arith.addf %add3A_325, %add3A_329 : vector<16xf32>
        %add3A_334 = arith.addf %add3A_330, %add3A_331 : vector<16xf32>
        %add3A_335 = arith.addf %add3A_332, %add3A_333 : vector<16xf32>
        %add3A_336 = arith.addf %add3A_334, %add3A_335 : vector<16xf32>
        %mul3A_337 = arith.mulf %add3A_301, %add3A_301 : vector<16xf32>
        %mul3A_338 = arith.mulf %add3A_305, %add3A_305 : vector<16xf32>
        %add3A_339 = arith.addf %mul3A_337, %mul3A_338 : vector<16xf32>
        %mul3A_340 = arith.mulf %add3A_309, %add3A_309 : vector<16xf32>
        %mul3A_341 = arith.mulf %add3A_313, %add3A_313 : vector<16xf32>
        %add3A_342 = arith.addf %mul3A_340, %mul3A_341 : vector<16xf32>
        %mul3A_343 = arith.mulf %add3A_317, %add3A_317 : vector<16xf32>
        %mul3A_344 = arith.mulf %add3A_321, %add3A_321 : vector<16xf32>
        %add3A_345 = arith.addf %mul3A_343, %mul3A_344 : vector<16xf32>
        %mul3A_346 = arith.mulf %add3A_325, %add3A_325 : vector<16xf32>
        %mul3A_347 = arith.mulf %add3A_329, %add3A_329 : vector<16xf32>
        %add3A_348 = arith.addf %mul3A_346, %mul3A_347 : vector<16xf32>
        %add3A_349 = arith.addf %add3A_339, %add3A_342 : vector<16xf32>
        %add3A_350 = arith.addf %add3A_345, %add3A_348 : vector<16xf32>
        %add3A_351 = arith.addf %add3A_349, %add3A_350 : vector<16xf32>
        %reduce_sum3A_352 = arith.constant true
        %reduce_sum3A_353 = vector.broadcast %reduce_sum3A_352 : i1 to vector<16xi1>
        %reduce_sum3A_354 = tpu.scan <sum>, %add3A_336 masked %reduce_sum3A_353 : vector<16xf32>, vector<16xi1> -> vector<16xf32>
        %reduce_sum3A_355 = vector.extract %reduce_sum3A_354[15] : f32 from vector<16xf32>
        %reduce_sum3A_356 = arith.constant true
        %reduce_sum3A_357 = vector.broadcast %reduce_sum3A_356 : i1 to vector<16xi1>
        %reduce_sum3A_358 = tpu.scan <sum>, %add3A_351 masked %reduce_sum3A_357 : vector<16xf32>, vector<16xi1> -> vector<16xf32>
        %reduce_sum3A_359 = vector.extract %reduce_sum3A_358[15] : f32 from vector<16xf32>
        %mul3A_360 = arith.constant 7.812500e-03 : f32
        %mul3A_361 = arith.mulf %reduce_sum3A_355, %mul3A_360 : f32
        %mul3A_362 = arith.constant 7.812500e-03 : f32
        %mul3A_363 = arith.mulf %reduce_sum3A_359, %mul3A_362 : f32
        %mul3A_364 = arith.mulf %mul3A_361, %mul3A_361 : f32
        %sub3A_365 = arith.subf %mul3A_363, %mul3A_364 : f32
        %add3A_366 = arith.constant 9.99999996E-13 : f32
        %add3A_367 = arith.addf %sub3A_365, %add3A_366 : f32
        %bitcast_convert_type3A_368 = arith.bitcast %add3A_367 : f32 to i32
        %shift_right_arithmetic3A_369 = arith.constant 1 : i32
        %shift_right_arithmetic3A_370 = arith.shrsi %bitcast_convert_type3A_368, %shift_right_arithmetic3A_369 : i32
        %sub3A_371 = arith.constant 1597463007 : i32
        %sub3A_372 = arith.subi %sub3A_371, %shift_right_arithmetic3A_370 : i32
        %bitcast_convert_type3A_373 = arith.bitcast %sub3A_372 : i32 to f32
        %mul3A_374 = arith.constant 5.000000e-01 : f32
        %mul3A_375 = arith.mulf %mul3A_374, %add3A_367 : f32
        %mul3A_376 = arith.mulf %mul3A_375, %bitcast_convert_type3A_373 : f32
        %mul3A_377 = arith.mulf %mul3A_376, %bitcast_convert_type3A_373 : f32
        %sub3A_378 = arith.constant 1.500000e+00 : f32
        %sub3A_379 = arith.subf %sub3A_378, %mul3A_377 : f32
        %mul3A_380 = arith.mulf %bitcast_convert_type3A_373, %sub3A_379 : f32
        %mul3A_381 = arith.constant 5.000000e-01 : f32
        %mul3A_382 = arith.mulf %mul3A_381, %add3A_367 : f32
        %mul3A_383 = arith.mulf %mul3A_382, %mul3A_380 : f32
        %mul3A_384 = arith.mulf %mul3A_383, %mul3A_380 : f32
        %sub3A_385 = arith.constant 1.500000e+00 : f32
        %sub3A_386 = arith.subf %sub3A_385, %mul3A_384 : f32
        %mul3A_387 = arith.mulf %mul3A_380, %sub3A_386 : f32
        %mul3A_388 = arith.constant 5.000000e-01 : f32
        %mul3A_389 = arith.mulf %mul3A_388, %add3A_367 : f32
        %mul3A_390 = arith.mulf %mul3A_389, %mul3A_387 : f32
        %mul3A_391 = arith.mulf %mul3A_390, %mul3A_387 : f32
        %sub3A_392 = arith.constant 1.500000e+00 : f32
        %sub3A_393 = arith.subf %sub3A_392, %mul3A_391 : f32
        %mul3A_394 = arith.mulf %mul3A_387, %sub3A_393 : f32
        %broadcast_in_dim3A_395 = vector.broadcast %mul3A_361 : f32 to vector<16xf32>
        %broadcast_in_dim3A_396 = vector.broadcast %mul3A_394 : f32 to vector<16xf32>
        %sub3A_397 = arith.subf %add3A_301, %broadcast_in_dim3A_395 : vector<16xf32>
        %mul3A_398 = arith.mulf %sub3A_397, %broadcast_in_dim3A_396 : vector<16xf32>
        %mul3A_399 = arith.mulf %mul3A_398, %get3A_19 : vector<16xf32>
        %add3A_400 = arith.addf %mul3A_399, %get3A_35 : vector<16xf32>
        tpu.vector_store_idx %arg13[%broadcast_in_dim3A_292, %add3A_120], %add3A_400 : memref<128x128xf32, #tpu.memory_space<vmem>>[vector<16xi32>, vector<16xi32>], vector<16xf32>,
        %sub3A_401 = arith.subf %add3A_305, %broadcast_in_dim3A_395 : vector<16xf32>
        %mul3A_402 = arith.mulf %sub3A_401, %broadcast_in_dim3A_396 : vector<16xf32>
        %mul3A_403 = arith.mulf %mul3A_402, %get3A_21 : vector<16xf32>
        %add3A_404 = arith.addf %mul3A_403, %get3A_37 : vector<16xf32>
        tpu.vector_store_idx %arg13[%broadcast_in_dim3A_292, %add3A_123], %add3A_404 : memref<128x128xf32, #tpu.memory_space<vmem>>[vector<16xi32>, vector<16xi32>], vector<16xf32>,
        %sub3A_405 = arith.subf %add3A_309, %broadcast_in_dim3A_395 : vector<16xf32>
        %mul3A_406 = arith.mulf %sub3A_405, %broadcast_in_dim3A_396 : vector<16xf32>
        %mul3A_407 = arith.mulf %mul3A_406, %get3A_23 : vector<16xf32>
        %add3A_408 = arith.addf %mul3A_407, %get3A_39 : vector<16xf32>
        tpu.vector_store_idx %arg13[%broadcast_in_dim3A_292, %add3A_126], %add3A_408 : memref<128x128xf32, #tpu.memory_space<vmem>>[vector<16xi32>, vector<16xi32>], vector<16xf32>,
        %sub3A_409 = arith.subf %add3A_313, %broadcast_in_dim3A_395 : vector<16xf32>
        %mul3A_410 = arith.mulf %sub3A_409, %broadcast_in_dim3A_396 : vector<16xf32>
        %mul3A_411 = arith.mulf %mul3A_410, %get3A_25 : vector<16xf32>
        %add3A_412 = arith.addf %mul3A_411, %get3A_41 : vector<16xf32>
        tpu.vector_store_idx %arg13[%broadcast_in_dim3A_292, %add3A_129], %add3A_412 : memref<128x128xf32, #tpu.memory_space<vmem>>[vector<16xi32>, vector<16xi32>], vector<16xf32>,
        %sub3A_413 = arith.subf %add3A_317, %broadcast_in_dim3A_395 : vector<16xf32>
        %mul3A_414 = arith.mulf %sub3A_413, %broadcast_in_dim3A_396 : vector<16xf32>
        %mul3A_415 = arith.mulf %mul3A_414, %get3A_27 : vector<16xf32>
        %add3A_416 = arith.addf %mul3A_415, %get3A_43 : vector<16xf32>
        tpu.vector_store_idx %arg13[%broadcast_in_dim3A_292, %add3A_132], %add3A_416 : memref<128x128xf32, #tpu.memory_space<vmem>>[vector<16xi32>, vector<16xi32>], vector<16xf32>,
        %sub3A_417 = arith.subf %add3A_321, %broadcast_in_dim3A_395 : vector<16xf32>
        %mul3A_418 = arith.mulf %sub3A_417, %broadcast_in_dim3A_396 : vector<16xf32>
        %mul3A_419 = arith.mulf %mul3A_418, %get3A_29 : vector<16xf32>
        %add3A_420 = arith.addf %mul3A_419, %get3A_45 : vector<16xf32>
        tpu.vector_store_idx %arg13[%broadcast_in_dim3A_292, %add3A_135], %add3A_420 : memref<128x128xf32, #tpu.memory_space<vmem>>[vector<16xi32>, vector<16xi32>], vector<16xf32>,
        %sub3A_421 = arith.subf %add3A_325, %broadcast_in_dim3A_395 : vector<16xf32>
        %mul3A_422 = arith.mulf %sub3A_421, %broadcast_in_dim3A_396 : vector<16xf32>
        %mul3A_423 = arith.mulf %mul3A_422, %get3A_31 : vector<16xf32>
        %add3A_424 = arith.addf %mul3A_423, %get3A_47 : vector<16xf32>
        tpu.vector_store_idx %arg13[%broadcast_in_dim3A_292, %add3A_138], %add3A_424 : memref<128x128xf32, #tpu.memory_space<vmem>>[vector<16xi32>, vector<16xi32>], vector<16xf32>,
        %sub3A_425 = arith.subf %add3A_329, %broadcast_in_dim3A_395 : vector<16xf32>
        %mul3A_426 = arith.mulf %sub3A_425, %broadcast_in_dim3A_396 : vector<16xf32>
        %mul3A_427 = arith.mulf %mul3A_426, %get3A_33 : vector<16xf32>
        %add3A_428 = arith.addf %mul3A_427, %get3A_49 : vector<16xf32>
        tpu.vector_store_idx %arg13[%broadcast_in_dim3A_292, %add3A_141], %add3A_428 : memref<128x128xf32, #tpu.memory_space<vmem>>[vector<16xi32>, vector<16xi32>], vector<16xf32>,
      }
      %scan3A_146 = arith.constant 128 : i32
      %mul3A_147 = arith.constant 128 : i32
      %mul3A_148 = arith.muli %add3A_117, %mul3A_147 : i32
      %add3A_149 = arith.addi %mul3A_2, %mul3A_148 : i32
      "tpu.region"() ({
        %run_scoped3A_150 = tpu.sem_alloc : memref<!tpu.dma_semaphore, #tpu.memory_space<semaphore_mem>>
        %dma_start3A_151 = arith.constant 0 : i32
        %dma_start3A_152 = tpu.memref_slice %arg9[%add3A_149, %dma_start3A_151] : memref<204800x128xf32, #tpu.memory_space<hbm>> -> memref<128x128xf32, #tpu.memory_space<hbm>>
        %dma_start3A_153 = arith.constant 0 : i32
        %dma_start3A_154 = tpu.memref_slice %arg9[%add3A_149, %dma_start3A_153] : memref<204800x128xf32, #tpu.memory_space<hbm>> -> memref<128x128xf32, #tpu.memory_space<hbm>>
        tpu.enqueue_dma source(%arg13 : memref<128x128xf32, #tpu.memory_space<vmem>>) target(%dma_start3A_154 : memref<128x128xf32, #tpu.memory_space<hbm>>) target_semaphore(%run_scoped3A_150 : memref<!tpu.dma_semaphore, #tpu.memory_space<semaphore_mem>>)
        %dma_wait3A_155 = arith.constant 0 : i32
        %dma_wait3A_156 = tpu.memref_slice %arg9[%add3A_149, %dma_wait3A_155] : memref<204800x128xf32, #tpu.memory_space<hbm>> -> memref<128x128xf32, #tpu.memory_space<hbm>>
        %dma_wait3A_157 = arith.constant 0 : i32
        %dma_wait3A_158 = tpu.memref_slice %arg9[%add3A_149, %dma_wait3A_157] : memref<204800x128xf32, #tpu.memory_space<hbm>> -> memref<128x128xf32, #tpu.memory_space<hbm>>
        tpu.wait_dma2 semaphore(%run_scoped3A_150 : memref<!tpu.dma_semaphore, #tpu.memory_space<semaphore_mem>>) src(%arg13 : memref<128x128xf32, #tpu.memory_space<vmem>>) dst(%dma_wait3A_158 : memref<128x128xf32, #tpu.memory_space<hbm>>)
        tpu.yield
      }) : () -> ()
    }
    %scan3A_57 = arith.constant 25 : i32
    return
  }
}

</mosaic_0001>

<sc_bundles>
// kernel: kernel.3.cloned.1.call-start
scs
__scs_entry_jumppad:
0x0: {  	(pc) =	sbr.rel $0x88, $3  }
0x1: {  	(tag) =	ssettag $0x0;
	lr =	simm.s32 $0x1  }
0x2: {  	[smem:$0x3F9A] =	sst lr;
	_ =	strace $0xD0000000  }
0x3: {  	_ = 	snop  }
0x4: {  	_ = 	snop  }
0x5: {  	_ = 	snop  }
0x6: {  	_ = 	snop  }
0x7: {  	_ = 	snop  }
__scs_overlays_trampoline_lowered:
0x8: {  	[smem:$0x3FA9] =	sst s0  }
0x9: {  	[smem:$0x3FAA] =	sst s1  }
0xa: {  	[smem:$0x3FAB] =	sst s2  }
0xb: {  	[smem:$0x3FAC] =	sst s3  }
0xc: {  	[smem:$0x3FAD] =	sst s4  }
0xd: {  	[smem:$0x3FAE] =	sst s5  }
0xe: {  	[smem:$0x3FAF] =	sst s6  }
0xf: {  	[smem:$0x3FB0] =	sst s7  }
0x10: {  	[smem:$0x3FB1] =	sst s8  }
0x11: {  	[smem:$0x3FB2] =	sst s9;
	s0 =	simm.s32 @!p0 $0x0  }
0x12: {  	s1 =	sld [smem:$0x3F98];
	s0 =	simm.s32 @p0 $0x1  }
0x13: {  	[smem:$0x3FB3] =	sst s0;
	s0 =	simm.s32 @!p1 $0x0  }
0x14: {  	s2 =	sld [smem:$0x3F97];
	s0 =	simm.s32 @p1 $0x1  }
0x15: {  	[smem:$0x3FB4] =	sst s0;
	s0 =	simm.s32 @!p2 $0x0  }
0x16: {  	s3 =	sld [smem:$0x3FDB];
	s0 =	simm.s32 @p2 $0x1  }
0x17: {  	s4 =	simm.s32 $0x1BF5;
	[smem:$0x3FB6] =	sst s0  }
0x18: {  	s0 =	sld [smem:$0x3F99];
	_ =	swait.ge [sflag:s4], $0x0  }
0x19: {  	s7 =	sld [smem:$0x3F9A]  }
0x1a: {  	s8 =	sadd.s32 $0xFFFFE003, lr  }
0x1b: {  	s9 =	sadd.s32 $0xFFFFFEF7, lr;
	s5 =	simm.s32 $0xFFFFFFFF;
	p2 =	slt.u32 s8, $0xFFFFF086  }
0x1c: {  	p1 =	slt.u32 s9, $0xF7A;
	s5 =	simm.s32 @!p2 $0x0  }
0x1d: {  	s5 =	simm.s32 @p1 $0x1;
	p0 =	seq.s32 s7, s2  }
0x1e: {  	s7 =	smul.u32 @!p0 $0xF7A, s2;
	p2 =	seq.s32 @!p0 s5, $0x0  }
0x1f: {  	s9 =	smul.u32 $0xF7A, s1;
	s8 =	simm.s32 @!p0 $0x1BF5;
	p2 =	por !p2, p0  }
0x20: {  	[sflag:s8] =	ssyncset.s32 @!p0 $0xFFFFF086;
	s6 =	sadd.s32 @!p0 s3, s7;
	s7 =	simm.s32 @!p0 $0x108  }
0x21: {  	s3 =	sadd.s32 s3, s9;
	s6 =	sadd.s32 @!p0 $0x88, s6;
	s7 =	simm.s32 @p2 $0x1082  }
0x22: {  	[simem:s7], [sflag:s8] =	dma.local @!p0 [hbm:s6], $0xF7A  }
0x23: {  	s9 =	sor.u32 $0xD0000000, s2;
	s6 =	simm.s32 $0x108;
	_ =	swait.ge @!p0 [sflag:s8], $0x0  }
0x24: {  	s3 =	sadd.s32 $0x88, s3;
	s6 =	simm.s32 @!p1 $0x1082;
	[sflag:s4] =	ssyncset.s32 $0xFFFFF086  }
0x25: {  	[simem:s6], [sflag:s4] =	dma.local [hbm:s3], $0xF7A  }
0x26: {  	[smem:$0x3F9A] =	sst s1;
	(tag) =	ssettag s2;
	_ =	strace s9  }
0x27: {  	s1 =	sld [smem:$0x3FAA]  }
0x28: {  	s2 =	sld [smem:$0x3FAB]  }
0x29: {  	s4 =	sld [smem:$0x3FAD]  }
0x2a: {  	p0 =	seq.s32 s5, $0x0;
	s5 =	sld [smem:$0x3FAE]  }
0x2b: {  	s6 =	sld [smem:$0x3FAF]  }
0x2c: {  	s7 =	sld [smem:$0x3FB0]  }
0x2d: {  	s3 =	simm.s32 $0x108;
	s8 =	sld [smem:$0x3FB1]  }
0x2e: {  	s3 =	simm.s32 @!p0 $0x1082;
	s9 =	sld [smem:$0x3FB2]  }
0x2f: {  	lr =	sadd.s32 s0, s3;
	s0 =	sld [smem:$0x3FA9]  }
0x30: {  	s3 =	sld [smem:$0x3FAC]  }
0x31: {  	[smem:$0x3FB5] =	sst s10  }
0x32: {  	s10 =	sld [smem:$0x3FB3];
	_ =	sdelay $0x3  }
0x33: {  	p0 =	seq.s32 s10, $0x1;
	s10 =	sld [smem:$0x3FB5];
	_ =	sdelay $0x3  }
0x34: {  	[smem:$0x3FB5] =	sst s10  }
0x35: {  	s10 =	sld [smem:$0x3FB4];
	_ =	sdelay $0x3  }
0x36: {  	p1 =	seq.s32 s10, $0x1;
	s10 =	sld [smem:$0x3FB5];
	_ =	sdelay $0x3  }
0x37: {  	[smem:$0x3FB5] =	sst s10  }
0x38: {  	s10 =	sld [smem:$0x3FB6]  }
0x39: {  	_ = 	snop;
	(pc) =	sbr.ind lr, $3  }
0x3a: {  	_ = 	snop  }
0x3b: {  	_ = 	snop  }
0x3c: {  	p2 =	seq.s32 s10, $0x1;
	s10 =	sld [smem:$0x3FB5]  }
0x3d: {  	_ =	shalt  }
0x3e: {  	_ =	shalt  }
0x3f: {  	_ =	shalt  }
0x40: {  	_ =	shalt  }
0x41: {  	_ =	shalt  }
0x42: {  	_ =	shalt  }
0x43: {  	_ =	shalt  }
0x44: {  	_ =	shalt  }
0x45: {  	_ =	shalt  }
0x46: {  	_ =	shalt  }
0x47: {  	_ =	shalt  }
0x48: {  	_ =	shalt  }
0x49: {  	_ =	shalt  }
0x4a: {  	_ =	shalt  }
0x4b: {  	_ =	shalt  }
0x4c: {  	_ =	shalt  }
0x4d: {  	_ =	shalt  }
0x4e: {  	_ =	shalt  }
0x4f: {  	_ =	shalt  }
0x50: {  	_ =	shalt  }
0x51: {  	_ =	shalt  }
0x52: {  	_ =	shalt  }
0x53: {  	_ =	shalt  }
0x54: {  	_ =	shalt  }
0x55: {  	_ =	shalt  }
0x56: {  	_ =	shalt  }
0x57: {  	_ =	shalt  }
0x58: {  	_ =	shalt  }
0x59: {  	_ =	shalt  }
0x5a: {  	_ =	shalt  }
0x5b: {  	_ =	shalt  }
0x5c: {  	_ =	shalt  }
0x5d: {  	_ =	shalt  }
0x5e: {  	_ =	shalt  }
0x5f: {  	_ =	shalt  }
0x60: {  	_ =	shalt  }
0x61: {  	_ =	shalt  }
0x62: {  	_ =	shalt  }
0x63: {  	_ =	shalt  }
0x64: {  	_ =	shalt  }
0x65: {  	_ =	shalt  }
0x66: {  	_ =	shalt  }
0x67: {  	_ =	shalt  }
0x68: {  	_ =	shalt  }
0x69: {  	_ =	shalt  }
0x6a: {  	_ =	shalt  }
0x6b: {  	_ =	shalt  }
0x6c: {  	_ =	shalt  }
0x6d: {  	_ =	shalt  }
0x6e: {  	_ =	shalt  }
0x6f: {  	_ =	shalt  }
0x70: {  	_ =	shalt  }
0x71: {  	_ =	shalt  }
0x72: {  	_ =	shalt  }
0x73: {  	_ =	shalt  }
0x74: {  	_ =	shalt  }
0x75: {  	_ =	shalt  }
0x76: {  	_ =	shalt  }
0x77: {  	_ =	shalt  }
0x78: {  	_ =	shalt  }
0x79: {  	_ =	shalt  }
0x7a: {  	_ =	shalt  }
0x7b: {  	_ =	shalt  }
0x7c: {  	_ =	shalt  }
0x7d: {  	_ =	shalt  }
0x7e: {  	_ =	shalt  }
0x7f: {  	_ =	shalt  }
0x80: {  	_ =	shalt  }
0x81: {  	_ =	shalt  }
0x82: {  	_ =	shalt  }
0x83: {  	_ =	shalt  }
0x84: {  	_ =	shalt  }
0x85: {  	_ =	shalt  }
0x86: {  	_ =	shalt  }
0x87: {  	_ =	shalt  }
.Lfunc_end0:
.L_simem_size_0:
called_computation_lowered:
.L_overlay_start_0:
0x88: {  	s2 =	sld [smem:$0x3FD9]  }
0x89: {  	s3 =	sld [smem:$0x3FFE];
	_ =	sdelay $0x1  }
0x8a: {  	s1 =	srdreg.scid  }
0x8b: {  	s0 =	sand.u32 $0x1, s1  }
0x8c: {  	s17 =	sshll.u32 s0, $0xA;
	s2 =	sadd.s32 s3, s2  }
0x8d: {  	s2 =	sadd.s32 s2, s17  }
0x8e: {  	[smem:$0x3FC1] =	sst s2  }
0x8f: {  	_ = 	snop  }
0x90: {  	s2 =	sld [smem:$0x3FC7]  }
0x91: {  	s18 =	sld [smem:$0x3FC6]  }
0x92: {  	s4 =	sld [smem:$0x3FC5]  }
0x93: {  	s5 =	sld [smem:$0x3FC4]  }
0x94: {  	s6 =	sld [smem:$0x3FC3]  }
0x95: {  	s7 =	sld [smem:$0x3FD0];
	(tm) =	ssettm $0x1  }
0x96: {  	s8 =	sld [smem:$0x3FFB];
	_ =	sdelay $0x3  }
0x97: {  	_ =	strace s8  }
0x98: {  	s8 =	sld [smem:$0x3FFC];
	_ =	sdelay $0x3  }
0x99: {  	_ =	strace s8  }
0x9a: {  	s8 =	sld [smem:$0x3FFD];
	_ =	sdelay $0x3  }
0x9b: {  	_ =	strace s8  }
0x9c: {  	_ =	strace $0x8FFFFFFF  }
0x9d: {  	s19 =	sld [smem:$0x3FDB];
	_ =	sdelay $0x1  }
0x9e: {  	s9 =	simm.s32 $_scs_section_size  }
0x9f: {  	s10 =	simm.s32 $_size__tile_overlayer_lowered;
	s11 =	simm.s32 $_tile_overlayer_lowered  }
0xa0: {  	s22 =	simm.s32 $0x1BFF;
	s21 =	sshll.u32 s11, $0x1;
	s8 =	sadd.s32 s9, s19  }
0xa1: {  	s12 =	simm.s32 $0x0;
	s20 =	sshll.u32 s10, $0x1;
	s10 =	sadd.s32 s21, s8  }
0xa2: {  	[timem:s12], [sflag:s22] =	dma.local [hbm:s10], s20  }
0xa3: {  	_ =	swait.ge [sflag:s22], s20  }
0xa4: {  	s9 =	ssub.s32 $0x0, s20;
	[sflag:s22] =	ssyncset.done $0x0  }
0xa5: {  	[sflag:s22] =	ssyncadd.s32 s9;
	_ =	sdelay $0x1  }
0xa6: {  	s23 =	simm.s32 $0x1B8B  }
0xa7: {  	_ =	swait.ge [sflag:s23], $0x1  }
0xa8: {  	[sflag:s23] =	ssyncset.done $0x0  }
0xa9: {  	s25 =	simm.s32 $0x1B8E;
	s24 =	sld [smem:$0x3FFE];
	[sflag:s23] =	ssyncadd.s32 $0xFFFFFFFF  }
0xaa: {  	s26 =	simm.s32 $execute0_lowered;
	[smem:$0x3FD2] =	sst s25  }
0xab: {  	s10 =	sshll.u32 s26, $0x1;
	_ =	strace $0x80000046;
	[dreg:$0x1] =	wrdreg $0xFFFFFFFF  }
0xac: {  	s28 =	simm.s32 $_size_execute0_lowered;
	s8 =	sadd.s32 s8, s10;
	[dreg:$0x0] =	wrdreg $0x0  }
0xad: {  	s10 =	sshll.u32 s28, $0x1;
	[dreg:$0x2] =	wrdreg s8  }
0xae: {  	[dreg:$0x3] =	wrdreg s10  }
0xaf: {  	[dreg:$0x4] =	wrdreg $0xC0  }
0xb0: {  	_ =	task [dreg:s12], $0x5FFFF  }
0xb1: {  	[dreg:$0x1] =	wrdreg $0xFFFFFFFF  }
0xb2: {  	[dreg:$0x0] =	wrdreg $0x60  }
0xb3: {  	[dreg:$0x2] =	wrdreg s24  }
0xb4: {  	[dreg:$0x3] =	wrdreg s2  }
0xb5: {  	[dreg:$0x4] =	wrdreg s18  }
0xb6: {  	[dreg:$0x5] =	wrdreg s4  }
0xb7: {  	[dreg:$0x6] =	wrdreg s5  }
0xb8: {  	[dreg:$0x7] =	wrdreg s6  }
0xb9: {  	[dreg:$0x8] =	wrdreg s7  }
0xba: {  	[dreg:$0x9] =	wrdreg $0x9  }
0xbb: {  	_ =	task.clear_ibuf [dreg:s12], $0xAFFFF;
	_ =	strace $0x90000046  }
0xbc: {  	s29 =	simm.s32 $0x9;
	_ =	strace $0x80000048  }
0xbd: {  	_ =	swait.ge [sflag:s29], $0x1  }
0xbe: {  	[sflag:s29] =	ssyncadd.s32 $0xFFFFFFFF  }
0xbf: {  	_ =	strace $0x90000048  }
0xc0: {  	_ =	sfence  }
0xc1: {  	s30 =	sld [smem:$0x0];
	_ =	sdelay $0x2  }
0xc2: {  	s31 =	sshll.u32 s1, $0xD;
	s1 =	sshrl.u32 s1, $0x2  }
0xc3: {  	s3 =	sand.u32 $0x4000, s31;
	s1 =	sadd.s32 s1, s30  }
0xc4: {  	s0 =	sor.u32 s3, s0;
	s1 =	sshll.u32 s1, $0x11  }
0xc5: {  	s0 =	sor.u32 s1, s0  }
0xc6: {  	s0 =	sadd.s32 $0x8F2B, s0  }
0xc7: {  	[sflag:s0] =	ssyncadd.remote.s32 $0x1  }
0xc8: {  	_ =	sfence.sel $0xFFFF  }
0xc9: {  	[dreg:$0x0] =	wrdreg $0xFFFFFFFF;
	(pc) =	sbr.abs _section_cstart, $3  }
0xca: {  	[dreg:$0x1] =	wrdreg $0xFFFFFFFF  }
0xcb: {  	_ =	task.clear_ibuf [dreg:s12], $0x2FFFF;
	_ =	strace $0x9FFFFFFF  }
0xcc: {  	(tm) =	ssettm $0x7FFFFFFF  }
0xcd: {  	_ =	shalt  }
tec
execute0_lowered:
.L_overlay_start_1:
0x0: {  	(tag) =	ssettag $0x1  }
0x1: {  	s0 =	rddreg [dreg:$0x0]  }
0x2: {  	s1 =	rddreg [dreg:$0x1]  }
0x3: {  	s2 =	rddreg [dreg:$0x2]  }
0x4: {  	s3 =	rddreg [dreg:$0x3];
	s5 =	srdreg.scid  }
0x5: {  	s6 =	stileid.u32;
	s4 =	rddreg [dreg:$0x4]  }
0x6: {  	s9 =	simm.s32 $0x0;
	s14 =	simm.s32 $0x3;
	s15 =	simm.s32 $0x1900  }
0x7: {  	s16 =	simm.s32 $0xB200;
	s17 =	simm.s32 $0x1B200;
	s18 =	simm.s32 $0x1B280  }
0x8: {  	s19 =	simm.s32 $0x1B300;
	s20 =	simm.s32 $0x80;
	s21 =	simm.s32 $0x3200  }
0x9: {  	s22 =	simm.s32 $0x7200;
	s5 =	sand.u32 $0x1, s5;
	s7 =	sshll.u32 s6, $0x1  }
0xa: {  	s23 =	simm.s32 $0x1;
	s6 =	rddreg [dreg:$0x5];
	s12 =	sor.u32 s5, s7  }
0xb: {  	s24 =	simm.s32 $0x2;
	[smem:$0x7FF] =	sst s9;
	s8 =	smul.u32 $0x1900, s12  }
0xc: {  	v0 =	vlaneseq.u32;
	s25 =	simm.s32 $0x0;
	s7 =	rddreg [dreg:$0x6];
	s5 =	ssub.s32 $0x2, s5  }
0xd: {  	v1 =	vor.u32 $0x10, v0;
	_ =	strace $0x80000047;
	s31 =	sshrl.u32 s5, $0x1;
	s10 =	sshrl.u32 s8, $0x3  }
0xe: {  	v2 =	vor.u32 $0x20, v0;
	v3 =	vor.u32 $0x30, v0;
	v4 =	vor.u32 $0x40, v0;
	s12 =	smul.u32 $0xC8000, s12;
	s5 =	ssub.s32 s5, s31;
	s0 =	sadd.s32 s10, s0  }
0xf: {  	v5 =	vor.u32 $0x50, v0;
	v6 =	vor.u32 $0x60, v0;
	v7 =	vor.u32 $0x70, v0;
	s13 =	smax.u32 s5, $0x1;
	s10 =	sadd.s32 $0x6800, s0;
	s11 =	sadd.s32 $0x400, s0  }
.LBB2_1:
0x10: {  	[tilespmem:s9], [sflag:$0x3] =	stream.linear.gather [hbm4b:s10+s9], $0x1900, $0x38;
	[tilespmem:$0x1B380] =	vst v63  }
0x11: {  	_ =	swait.ge [sflag:s14], $0x1900  }
0x12: {  	[sflag:s14] =	ssyncset.done $0x0  }
0x13: {  	[sflag:s14] =	ssyncadd.s32 $0xFFFFE700  }
0x14: {  	[tilespmem:s15], [sflag:$0x3] =	stream.linear.gather [hbm4b:s11+s9], $0x1900, $0x38;
	[tilespmem:$0x1B380] =	vst v63  }
0x15: {  	_ =	swait.ge [sflag:s14], $0x1900  }
0x16: {  	[sflag:s14] =	ssyncset.done $0x0  }
0x17: {  	[sflag:s14] =	ssyncadd.s32 $0xFFFFE700  }
0x18: {  	[tilespmem:s16], [sflag:$0x3] =	stream.linear.gather [hbm4b:s2+s9], $0x10000, $0x38;
	[tilespmem:$0x1B380] =	vst v63  }
0x19: {  	_ =	swait.ge [sflag:s14], $0x10000  }
0x1a: {  	[sflag:s14] =	ssyncset.done $0x0  }
0x1b: {  	[sflag:s14] =	ssyncadd.s32 $0xFFFF0000  }
0x1c: {  	[tilespmem:s17], [sflag:$0x3] =	stream.linear.gather [hbm4b:s4+s9], $0x80, $0x38;
	[tilespmem:$0x1B380] =	vst v63  }
0x1d: {  	_ =	swait.ge [sflag:s14], $0x80  }
0x1e: {  	[sflag:s14] =	ssyncset.done $0x0  }
0x1f: {  	[sflag:s14] =	ssyncadd.s32 $0xFFFFFF80  }
0x20: {  	[tilespmem:s18], [sflag:$0x3] =	stream.linear.gather [hbm4b:s6+s9], $0x80, $0x38;
	[tilespmem:$0x1B380] =	vst v63  }
0x21: {  	_ =	swait.ge [sflag:s14], $0x80  }
0x22: {  	[sflag:s14] =	ssyncset.done $0x0  }
0x23: {  	[sflag:s14] =	ssyncadd.s32 $0xFFFFFF80  }
0x24: {  	[tilespmem:s19], [sflag:$0x3] =	stream.linear.gather [hbm4b:s3+s9], $0x80, $0x38;
	[tilespmem:$0x1B380] =	vst v63  }
0x25: {  	_ =	swait.ge [sflag:s14], $0x80  }
0x26: {  	[sflag:s14] =	ssyncset.done $0x0  }
0x27: {  	[sflag:s14] =	ssyncadd.s32 $0xFFFFFF80  }
0x28: {  	v8 =	vld [tilespmem:$0x1B300]  }
0x29: {  	v9 =	vld [tilespmem:$0x1B310]  }
0x2a: {  	v10 =	vld [tilespmem:$0x1B320]  }
0x2b: {  	v11 =	vld [tilespmem:$0x1B330]  }
0x2c: {  	v12 =	vld [tilespmem:$0x1B340]  }
0x2d: {  	v13 =	vld [tilespmem:$0x1B350]  }
0x2e: {  	v14 =	vld [tilespmem:$0x1B360]  }
0x2f: {  	v15 =	vld [tilespmem:$0x1B370]  }
0x30: {  	v16 =	vld [tilespmem:$0x1B200]  }
0x31: {  	v17 =	vld [tilespmem:$0x1B210]  }
0x32: {  	v18 =	vld [tilespmem:$0x1B220]  }
0x33: {  	v19 =	vld [tilespmem:$0x1B230]  }
0x34: {  	v20 =	vld [tilespmem:$0x1B240]  }
0x35: {  	v21 =	vld [tilespmem:$0x1B250]  }
0x36: {  	v22 =	vld [tilespmem:$0x1B260]  }
0x37: {  	v23 =	vld [tilespmem:$0x1B270]  }
0x38: {  	v24 =	vld [tilespmem:$0x1B280]  }
0x39: {  	v25 =	vld [tilespmem:$0x1B290]  }
0x3a: {  	v26 =	vld [tilespmem:$0x1B2A0]  }
0x3b: {  	v27 =	vld [tilespmem:$0x1B2B0]  }
0x3c: {  	v28 =	vld [tilespmem:$0x1B2C0]  }
0x3d: {  	v29 =	vld [tilespmem:$0x1B2D0]  }
0x3e: {  	s26 =	simm.s32 $0x0;
	v30 =	vld [tilespmem:$0x1B2E0]  }
0x3f: {  	v31 =	vld [tilespmem:$0x1B2F0];
	[tilespmem:s21], [sflag:$0x1] =	stream.indirect.gather [hbm4b:s1+s20], $0x80, s9, s20, $0xb8  }
.LBB2_2:
0x40: {  	s0 =	sshll.u32 s26, $0x8  }
0x41: {  	s5 =	simm.s32 $0x0;
	v32 =	vmov s0  }
0x42: {  	s28 =	sor.u32 $0x80, s0;
	v33 =	vor.u32 s5, v32  }
0x43: {  	[tilespmem:s22], [sflag:$0x2] =	stream.indirect.gather [hbm4b:s1+s20], $0x80, s28, s20, $0xb8;
	[tilespmem:$0x1B380] =	vst v63  }
0x44: {  	v34 =	vmov s5;
	_ =	swait.ge [sflag:s23], $0x4000  }
0x45: {  	v38 =	vshll.u32 v34, $0x7;
	[sflag:s23] =	ssyncset.done $0x0  }
0x46: {  	v35 =	vor.u32 v3, v38;
	[sflag:s23] =	ssyncadd.s32 $0xFFFFC000  }
0x47: {  	v39 =	vor.u32 v2, v38;
	v37 =	vld.idx.msk [tilespmem:v33+s15+$0x0], $0xffff  }
0x48: {  	v34 =	vor.u32 v7, v38  }
0x49: {  	v36 =	vor.u32 v4, v38  }
0x4a: {  	v40 =	vor.u32 v0, v38  }
0x4b: {  	v33 =	vor.u32 v6, v38;
	v41 =	vld.idx.msk [tilespmem:v35+s21+$0x0], $0xffff  }
0x4c: {  	v44 =	vld.idx.msk [tilespmem:v39+s21+$0x0], $0xffff;
	v42 =	vshll.u32 v37, $0x7;
	v37 =	vor.u32 v5, v38  }
0x4d: {  	v47 =	vld.idx.msk [tilespmem:v34+s21+$0x0], $0xffff;
	v38 =	vor.u32 v1, v38  }
0x4e: {  	v49 =	vld.idx.msk [tilespmem:v36+s21+$0x0], $0xffff;
	v45 =	vor.u32 v5, v42  }
0x4f: {  	v51 =	vld.idx.msk [tilespmem:v40+s21+$0x0], $0xffff;
	v46 =	vor.u32 v0, v42  }
0x50: {  	v43 =	vld.idx.msk [tilespmem:v33+s21+$0x0], $0xffff;
	v48 =	vor.u32 v4, v42  }
0x51: {  	v50 =	vor.u32 v7, v42;
	v53 =	vld.idx.msk [tilespmem:v37+s21+$0x0], $0xffff  }
0x52: {  	v52 =	vor.u32 v2, v42;
	v62 =	vld.idx.msk [tilespmem:v38+s21+$0x0], $0xffff  }
0x53: {  	v54 =	vor.u32 v6, v42;
	v45 =	vld.idx.msk [tilespmem:v45+s16+$0x0], $0xffff  }
0x54: {  	v55 =	vor.u32 v3, v42;
	v46 =	vld.idx.msk [tilespmem:v46+s16+$0x0], $0xffff  }
0x55: {  	v42 =	vor.u32 v1, v42;
	v48 =	vld.idx.msk [tilespmem:v48+s16+$0x0], $0xffff  }
0x56: {  	v50 =	vld.idx.msk [tilespmem:v50+s16+$0x0], $0xffff  }
0x57: {  	v52 =	vld.idx.msk [tilespmem:v52+s16+$0x0], $0xffff  }
0x58: {  	v54 =	vld.idx.msk [tilespmem:v54+s16+$0x0], $0xffff  }
0x59: {  	v55 =	vld.idx.msk [tilespmem:v55+s16+$0x0], $0xffff  }
0x5a: {  	v42 =	vld.idx.msk [tilespmem:v42+s16+$0x0], $0xffff  }
0x5b: {  	v45 =	vadd.f32 v45, v53  }
0x5c: {  	v46 =	vadd.f32 v46, v51;
	v48 =	vadd.f32 v48, v49  }
0x5d: {  	v47 =	vadd.f32 v50, v47;
	v44 =	vadd.f32 v52, v44  }
0x5e: {  	v43 =	vadd.f32 v54, v43;
	v41 =	vadd.f32 v55, v41  }
0x5f: {  	v42 =	vadd.f32 v42, v62;
	v45 =	vadd.f32 v45, v13  }
0x60: {  	v47 =	vadd.f32 v47, v15;
	v44 =	vadd.f32 v44, v10  }
0x61: {  	v46 =	vadd.f32 v46, v8;
	v43 =	vadd.f32 v43, v14  }
0x62: {  	v41 =	vadd.f32 v41, v11;
	v48 =	vadd.f32 v48, v12  }
0x63: {  	v42 =	vadd.f32 v42, v9;
	v49 =	vmul.f32 v45, v45;
	v50 =	vmul.f32 v47, v47  }
0x64: {  	v63 =	vadd.f32 v47, v43;
	v52 =	vmul.f32 v44, v44;
	v60 =	vmul.f32 v46, v46  }
0x65: {  	v61 =	vmul.f32 v43, v43;
	v62 =	vadd.f32 v41, v44;
	v56 =	vadd.f32 v45, v48  }
0x66: {  	v57 =	vmul.f32 v48, v48;
	v58 =	vadd.f32 v42, v46;
	v59 =	vmul.f32 v41, v41  }
0x67: {  	v50 =	vadd.f32 v50, v61;
	v51 =	vadd.f32 v63, v56;
	v63 =	vmul.f32 v42, v42  }
0x68: {  	v49 =	vadd.f32 v49, v57;
	v55 =	vadd.f32 v62, v58  }
0x69: {  	v52 =	vadd.f32 v59, v52;
	v53 =	vadd.f32 v63, v60  }
0x6a: {  	v51 =	vadd.f32 v51, v55  }
0x6b: {  	v49 =	vadd.f32 v50, v49;
	v59 =	vadd.f32 v52, v53  }
0x6c: {  	(xrf2) =	vadd.scan.msk.f32 $0xffff, v51  }
0x6d: {  	v49 =	vadd.f32 v49, v59;
	_ =	sdelay $0x1  }
0x6e: {  	(xrf2) =	vadd.scan.msk.f32 $0xffff, v49;
	_ =	sdelay $0x6  }
0x6f: {  	v60, _, _ =	vpop (xrf2)  }
0x70: {  	(v2sf) =	vpush v60, $0xF;
	_ =	sdelay $0x1  }
0x71: {  	v61, _, _ =	vpop (xrf2)  }
0x72: {  	(v2sf) =	vpush v61, $0xF;
	_ =	sdelay $0xb  }
0x73: {  	s5 =	spop (v2sf)  }
0x74: {  	s0 =	smul.f32 $7.812500000e-03, s5;
	_ =	sdelay $0x1  }
0x75: {  	s30 =	smul.f32 s0, s0;
	s29 =	spop (v2sf)  }
0x76: {  	s29 =	smul.f32 $7.812500000e-03, s29;
	_ =	sdelay $0x1  }
0x77: {  	s5 =	ssub.f32 s29, s30;
	_ =	sdelay $0x1  }
0x78: {  	s5 =	sadd.f32 $9.999999960e-13, s5;
	_ =	sdelay $0x1  }
0x79: {  	s29 =	sshra.s32 s5, $0x1;
	s5 =	smul.f32 $5.000000000e-01, s5  }
0x7a: {  	s29 =	ssub.s32 $0x5F3759DF, s29  }
0x7b: {  	s30 =	smul.f32 s29, s5;
	_ =	sdelay $0x1  }
0x7c: {  	s30 =	smul.f32 s29, s30;
	_ =	sdelay $0x1  }
0x7d: {  	s30 =	ssub.f32 $1.500000000e+00, s30;
	_ =	sdelay $0x1  }
0x7e: {  	s29 =	smul.f32 s29, s30;
	_ =	sdelay $0x1  }
0x7f: {  	s30 =	smul.f32 s29, s5;
	_ =	sdelay $0x1  }
0x80: {  	s30 =	smul.f32 s30, s29;
	_ =	sdelay $0x1  }
0x81: {  	s30 =	ssub.f32 $1.500000000e+00, s30;
	_ =	sdelay $0x1  }
0x82: {  	s29 =	smul.f32 s30, s29;
	_ =	sdelay $0x1  }
0x83: {  	s5 =	smul.f32 s29, s5;
	_ =	sdelay $0x1  }
0x84: {  	s5 =	smul.f32 s5, s29;
	_ =	sdelay $0x1  }
0x85: {  	s5 =	ssub.f32 $1.500000000e+00, s5  }
0x86: {  	v62 =	vmov s0  }
0x87: {  	v46 =	vsub.f32 v46, v62;
	s5 =	smul.f32 s5, s29  }
0x88: {  	v42 =	vsub.f32 v42, v62  }
0x89: {  	v44 =	vsub.f32 v44, v62;
	v41 =	vsub.f32 v41, v62;
	v46 =	vmul.f32 s5, v46  }
0x8a: {  	v48 =	vsub.f32 v48, v62;
	v45 =	vsub.f32 v45, v62;
	v42 =	vmul.f32 s5, v42  }
0x8b: {  	v43 =	vsub.f32 v43, v62;
	v44 =	vmul.f32 s5, v44;
	v46 =	vmul.f32 v46, v16  }
0x8c: {  	v47 =	vsub.f32 v47, v62;
	v41 =	vmul.f32 s5, v41;
	v42 =	vmul.f32 v42, v17  }
0x8d: {  	v48 =	vmul.f32 s5, v48;
	v44 =	vmul.f32 v44, v18;
	v46 =	vadd.f32 v46, v24  }
0x8e: {  	v45 =	vmul.f32 s5, v45;
	v41 =	vmul.f32 v41, v19;
	v42 =	vadd.f32 v42, v25  }
0x8f: {  	v43 =	vmul.f32 s5, v43;
	v48 =	vmul.f32 v48, v20;
	v63 =	vadd.f32 v44, v26;
	[tilespmem:v40+s21+$0x0] =	vst.idx.msk $0xffff, v46  }
0x90: {  	v49 =	vmul.f32 s5, v47;
	v51 =	vmul.f32 v45, v21;
	v50 =	vadd.f32 v41, v27;
	[tilespmem:v38+s21+$0x0] =	vst.idx.msk $0xffff, v42  }
0x91: {  	s30 =	simm.s32 $0x1;
	v53 =	vmul.f32 v43, v22;
	v52 =	vadd.f32 v48, v28;
	[tilespmem:v39+s21+$0x0] =	vst.idx.msk $0xffff, v63  }
0x92: {  	v56 =	vor.u32 s30, v32;
	v55 =	vmul.f32 v49, v23;
	v54 =	vadd.f32 v51, v29;
	[tilespmem:v35+s21+$0x0] =	vst.idx.msk $0xffff, v50  }
0x93: {  	v57 =	vadd.f32 v53, v30;
	[tilespmem:v36+s21+$0x0] =	vst.idx.msk $0xffff, v52  }
0x94: {  	v59 =	vadd.f32 v55, v31;
	[tilespmem:v37+s21+$0x0] =	vst.idx.msk $0xffff, v54  }
0x95: {  	v58 =	vmov s30;
	[tilespmem:v33+s21+$0x0] =	vst.idx.msk $0xffff, v57  }
0x96: {  	v40 =	vshll.u32 v58, $0x7;
	[tilespmem:v34+s21+$0x0] =	vst.idx.msk $0xffff, v59  }
0x97: {  	v35 =	vor.u32 v5, v40;
	v60 =	vld.idx.msk [tilespmem:v56+s15+$0x0], $0xffff  }
0x98: {  	v39 =	vor.u32 v0, v40  }
0x99: {  	v38 =	vor.u32 v2, v40  }
0x9a: {  	v36 =	vor.u32 v3, v40  }
0x9b: {  	v37 =	vor.u32 v1, v40  }
0x9c: {  	v33 =	vor.u32 v7, v40;
	v45 =	vld.idx.msk [tilespmem:v35+s21+$0x0], $0xffff;
	v42 =	vshll.u32 v60, $0x7  }
0x9d: {  	v49 =	vld.idx.msk [tilespmem:v39+s21+$0x0], $0xffff;
	v61 =	vor.u32 v2, v42  }
0x9e: {  	v59 =	vld.idx.msk [tilespmem:v38+s21+$0x0], $0xffff;
	v46 =	vor.u32 v0, v42  }
0x9f: {  	v43 =	vld.idx.msk [tilespmem:v36+s21+$0x0], $0xffff;
	v62 =	vor.u32 v1, v42  }
0xa0: {  	v57 =	vld.idx.msk [tilespmem:v37+s21+$0x0], $0xffff;
	v63 =	vor.u32 v7, v42  }
0xa1: {  	v47 =	vld.idx.msk [tilespmem:v33+s21+$0x0], $0xffff;
	v58 =	vor.u32 v5, v42  }
0xa2: {  	v60 =	vor.u32 v3, v42;
	v44 =	vld.idx.msk [tilespmem:v61+s16+$0x0], $0xffff  }
0xa3: {  	v34 =	vor.u32 v4, v40;
	v46 =	vld.idx.msk [tilespmem:v46+s16+$0x0], $0xffff  }
0xa4: {  	v40 =	vor.u32 v6, v40;
	v48 =	vld.idx.msk [tilespmem:v62+s16+$0x0], $0xffff  }
0xa5: {  	v61 =	vor.u32 v6, v42;
	v50 =	vld.idx.msk [tilespmem:v63+s16+$0x0], $0xffff  }
0xa6: {  	v42 =	vor.u32 v4, v42;
	v52 =	vld.idx.msk [tilespmem:v58+s16+$0x0], $0xffff  }
0xa7: {  	v54 =	vld.idx.msk [tilespmem:v60+s16+$0x0], $0xffff  }
0xa8: {  	v41 =	vld.idx.msk [tilespmem:v34+s21+$0x0], $0xffff  }
0xa9: {  	v63 =	vld.idx.msk [tilespmem:v40+s21+$0x0], $0xffff  }
0xaa: {  	v44 =	vadd.f32 v44, v59;
	v62 =	vld.idx.msk [tilespmem:v61+s16+$0x0], $0xffff;
	v48 =	vadd.f32 v48, v57  }
0xab: {  	v42 =	vld.idx.msk [tilespmem:v42+s16+$0x0], $0xffff;
	v46 =	vadd.f32 v46, v49;
	v47 =	vadd.f32 v50, v47  }
0xac: {  	v45 =	vadd.f32 v52, v45;
	v43 =	vadd.f32 v54, v43  }
0xad: {  	v44 =	vadd.f32 v44, v10;
	v48 =	vadd.f32 v48, v9  }
0xae: {  	v46 =	vadd.f32 v46, v8;
	v49 =	vadd.f32 v45, v13  }
0xaf: {  	v50 =	vadd.f32 v47, v15;
	v43 =	vadd.f32 v43, v11  }
0xb0: {  	v58 =	vmul.f32 v48, v48;
	v57 =	vadd.f32 v62, v63;
	v41 =	vadd.f32 v42, v41  }
0xb1: {  	v59 =	vmul.f32 v46, v46;
	v45 =	vmul.f32 v49, v49;
	v51 =	vadd.f32 v43, v44  }
0xb2: {  	v53 =	vmul.f32 v43, v43;
	v52 =	vadd.f32 v57, v14;
	v41 =	vadd.f32 v41, v12  }
0xb3: {  	v60 =	vadd.f32 v48, v46;
	v55 =	vmul.f32 v50, v50;
	v47 =	vadd.f32 v58, v59  }
0xb4: {  	v42 =	vmul.f32 v44, v44;
	v61 =	vadd.f32 v50, v52;
	v62 =	vadd.f32 v49, v41  }
0xb5: {  	v51 =	vadd.f32 v51, v60;
	v63 =	vmul.f32 v52, v52;
	v59 =	vmul.f32 v41, v41  }
0xb6: {  	v42 =	vadd.f32 v53, v42;
	v60 =	vadd.f32 v61, v62  }
0xb7: {  	v55 =	vadd.f32 v55, v63;
	v45 =	vadd.f32 v45, v59  }
0xb8: {  	v51 =	vadd.f32 v60, v51  }
0xb9: {  	v42 =	vadd.f32 v42, v47;
	v45 =	vadd.f32 v55, v45  }
0xba: {  	(xrf2) =	vadd.scan.msk.f32 $0xffff, v51  }
0xbb: {  	v42 =	vadd.f32 v45, v42;
	_ =	sdelay $0x1  }
0xbc: {  	(xrf2) =	vadd.scan.msk.f32 $0xffff, v42;
	_ =	sdelay $0x6  }
0xbd: {  	v61, _, _ =	vpop (xrf2)  }
0xbe: {  	(v2sf) =	vpush v61, $0xF;
	_ =	sdelay $0x1  }
0xbf: {  	v62, _, _ =	vpop (xrf2)  }
0xc0: {  	(v2sf) =	vpush v62, $0xF;
	_ =	sdelay $0xb  }
0xc1: {  	s5 =	spop (v2sf)  }
0xc2: {  	s0 =	smul.f32 $7.812500000e-03, s5;
	_ =	sdelay $0x1  }
0xc3: {  	s29 =	spop (v2sf);
	s30 =	smul.f32 s0, s0  }
0xc4: {  	s29 =	smul.f32 $7.812500000e-03, s29;
	_ =	sdelay $0x1  }
0xc5: {  	s5 =	ssub.f32 s29, s30;
	_ =	sdelay $0x1  }
0xc6: {  	s5 =	sadd.f32 $9.999999960e-13, s5;
	_ =	sdelay $0x1  }
0xc7: {  	s29 =	sshra.s32 s5, $0x1;
	s31 =	smul.f32 $5.000000000e-01, s5  }
0xc8: {  	s5 =	ssub.s32 $0x5F3759DF, s29  }
0xc9: {  	s29 =	smul.f32 s5, s31;
	_ =	sdelay $0x1  }
0xca: {  	s29 =	smul.f32 s5, s29;
	_ =	sdelay $0x1  }
0xcb: {  	v63 =	vmov s0;
	s30 =	ssub.f32 $1.500000000e+00, s29  }
0xcc: {  	v46 =	vsub.f32 v46, v63;
	v47 =	vsub.f32 v48, v63  }
0xcd: {  	v48 =	vsub.f32 v44, v63;
	v45 =	vsub.f32 v43, v63;
	s5 =	smul.f32 s5, s30  }
0xce: {  	v44 =	vsub.f32 v41, v63;
	v43 =	vsub.f32 v49, v63  }
0xcf: {  	v42 =	vsub.f32 v52, v63;
	v41 =	vsub.f32 v50, v63;
	s29 =	simm.s32 $0x2;
	s0 =	smul.f32 s5, s31  }
.LBB2_3:
0xd0: {  	p0 =	slt.u32 s29, $0x7E;
	s30 =	smov.u32 s29;
	s29 =	sadd.s32 $0x2, s29  }
0xd1: {  	s0 =	smul.f32 s0, s5;
	_ =	sdelay $0x1  }
0xd2: {  	s0 =	ssub.f32 $1.500000000e+00, s0;
	_ =	sdelay $0x1  }
0xd3: {  	s0 =	smul.f32 s0, s5;
	_ =	sdelay $0x1  }
0xd4: {  	s5 =	smul.f32 s0, s31;
	_ =	sdelay $0x1  }
0xd5: {  	s5 =	smul.f32 s5, s0;
	_ =	sdelay $0x1  }
0xd6: {  	s5 =	ssub.f32 $1.500000000e+00, s5;
	_ =	sdelay $0x1  }
0xd7: {  	s0 =	smul.f32 s5, s0  }
0xd8: {  	v49 =	vor.u32 s30, v32  }
0xd9: {  	v46 =	vmul.f32 s0, v46;
	v47 =	vmul.f32 s0, v47  }
0xda: {  	v48 =	vmul.f32 s0, v48;
	v45 =	vmul.f32 s0, v45  }
0xdb: {  	v46 =	vmul.f32 v46, v16;
	v47 =	vmul.f32 v47, v17  }
0xdc: {  	v48 =	vmul.f32 v48, v18;
	v45 =	vmul.f32 v45, v19  }
0xdd: {  	v44 =	vmul.f32 s0, v44;
	v43 =	vmul.f32 s0, v43;
	v46 =	vadd.f32 v46, v24  }
0xde: {  	v42 =	vmul.f32 s0, v42;
	v41 =	vmul.f32 s0, v41;
	v47 =	vadd.f32 v47, v25  }
0xdf: {  	v44 =	vmul.f32 v44, v20;
	[tilespmem:v39+s21+$0x0] =	vst.idx.msk $0xffff, v46;
	v39 =	vadd.f32 v48, v26  }
0xe0: {  	v43 =	vmul.f32 v43, v21;
	[tilespmem:v37+s21+$0x0] =	vst.idx.msk $0xffff, v47;
	v37 =	vadd.f32 v45, v27  }
0xe1: {  	[tilespmem:v38+s21+$0x0] =	vst.idx.msk $0xffff, v39;
	v38 =	vadd.f32 v44, v28;
	v39 =	vmul.f32 v42, v22  }
0xe2: {  	[tilespmem:v36+s21+$0x0] =	vst.idx.msk $0xffff, v37;
	v36 =	vadd.f32 v43, v29;
	v37 =	vmul.f32 v41, v23  }
0xe3: {  	[tilespmem:v34+s21+$0x0] =	vst.idx.msk $0xffff, v38;
	v34 =	vadd.f32 v39, v30  }
0xe4: {  	[tilespmem:v35+s21+$0x0] =	vst.idx.msk $0xffff, v36;
	v35 =	vadd.f32 v37, v31  }
0xe5: {  	v36 =	vmov s30;
	[tilespmem:v40+s21+$0x0] =	vst.idx.msk $0xffff, v34  }
0xe6: {  	v40 =	vshll.u32 v36, $0x7;
	[tilespmem:v33+s21+$0x0] =	vst.idx.msk $0xffff, v35  }
0xe7: {  	v35 =	vor.u32 v3, v40;
	v37 =	vld.idx.msk [tilespmem:v49+s15+$0x0], $0xffff  }
0xe8: {  	v33 =	vor.u32 v6, v40  }
0xe9: {  	v38 =	vor.u32 v2, v40  }
0xea: {  	v34 =	vor.u32 v7, v40  }
0xeb: {  	v36 =	vor.u32 v4, v40  }
0xec: {  	v39 =	vor.u32 v0, v40;
	v41 =	vld.idx.msk [tilespmem:v35+s21+$0x0], $0xffff  }
0xed: {  	v42 =	vshll.u32 v37, $0x7;
	v37 =	vor.u32 v5, v40;
	v43 =	vld.idx.msk [tilespmem:v33+s21+$0x0], $0xffff  }
0xee: {  	v44 =	vor.u32 v1, v42;
	v46 =	vor.u32 v5, v42;
	v47 =	vor.u32 v7, v42;
	v45 =	vld.idx.msk [tilespmem:v38+s21+$0x0], $0xffff  }
0xef: {  	v48 =	vor.u32 v0, v42;
	v49 =	vor.u32 v2, v42;
	v50 =	vor.u32 v4, v42;
	v51 =	vld.idx.msk [tilespmem:v34+s21+$0x0], $0xffff  }
0xf0: {  	v52 =	vor.u32 v3, v42;
	v53 =	vld.idx.msk [tilespmem:v36+s21+$0x0], $0xffff  }
0xf1: {  	v54 =	vld.idx.msk [tilespmem:v39+s21+$0x0], $0xffff  }
0xf2: {  	v42 =	vor.u32 v6, v42;
	v55 =	vld.idx.msk [tilespmem:v37+s21+$0x0], $0xffff  }
0xf3: {  	v46 =	vld.idx.msk [tilespmem:v46+s16+$0x0], $0xffff  }
0xf4: {  	v48 =	vld.idx.msk [tilespmem:v48+s16+$0x0], $0xffff  }
0xf5: {  	v50 =	vld.idx.msk [tilespmem:v50+s16+$0x0], $0xffff  }
0xf6: {  	v40 =	vor.u32 v1, v40;
	v47 =	vld.idx.msk [tilespmem:v47+s16+$0x0], $0xffff  }
0xf7: {  	v49 =	vld.idx.msk [tilespmem:v49+s16+$0x0], $0xffff  }
0xf8: {  	v42 =	vld.idx.msk [tilespmem:v42+s16+$0x0], $0xffff  }
0xf9: {  	v46 =	vadd.f32 v46, v55;
	v52 =	vld.idx.msk [tilespmem:v52+s16+$0x0], $0xffff  }
0xfa: {  	v48 =	vadd.f32 v48, v54;
	v44 =	vld.idx.msk [tilespmem:v44+s16+$0x0], $0xffff  }
0xfb: {  	v50 =	vadd.f32 v50, v53;
	v54 =	vld.idx.msk [tilespmem:v40+s21+$0x0], $0xffff  }
0xfc: {  	v47 =	vadd.f32 v47, v51  }
0xfd: {  	v46 =	vadd.f32 v46, v13;
	v45 =	vadd.f32 v49, v45  }
0xfe: {  	v42 =	vadd.f32 v42, v43;
	v43 =	vadd.f32 v47, v15  }
0xff: {  	v45 =	vadd.f32 v45, v10;
	v41 =	vadd.f32 v52, v41  }
0x100: {  	v47 =	vadd.f32 v48, v8;
	v48 =	vmul.f32 v46, v46;
	v42 =	vadd.f32 v42, v14  }
0x101: {  	v49 =	vmul.f32 v43, v43;
	v44 =	vadd.f32 v44, v54;
	v41 =	vadd.f32 v41, v11  }
0x102: {  	v50 =	vadd.f32 v50, v12;
	v52 =	vmul.f32 v45, v45;
	v51 =	vadd.f32 v43, v42  }
0x103: {  	v53 =	vmul.f32 v47, v47;
	v54 =	vmul.f32 v42, v42;
	v44 =	vadd.f32 v44, v9  }
0x104: {  	v56 =	vadd.f32 v46, v50;
	v57 =	vmul.f32 v50, v50;
	v55 =	vadd.f32 v41, v45  }
0x105: {  	v59 =	vmul.f32 v41, v41;
	v49 =	vadd.f32 v49, v54;
	v58 =	vadd.f32 v44, v47  }
0x106: {  	v48 =	vadd.f32 v48, v57;
	v51 =	vadd.f32 v51, v56;
	v54 =	vmul.f32 v44, v44  }
0x107: {  	v52 =	vadd.f32 v59, v52;
	v55 =	vadd.f32 v55, v58  }
0x108: {  	v48 =	vadd.f32 v49, v48;
	v53 =	vadd.f32 v54, v53  }
0x109: {  	v49 =	vadd.f32 v51, v55  }
0x10a: {  	v51 =	vadd.f32 v52, v53  }
0x10b: {  	(xrf2) =	vadd.scan.msk.f32 $0xffff, v49  }
0x10c: {  	v48 =	vadd.f32 v48, v51;
	_ =	sdelay $0x1  }
0x10d: {  	(xrf2) =	vadd.scan.msk.f32 $0xffff, v48;
	_ =	sdelay $0x6  }
0x10e: {  	v48, _, _ =	vpop (xrf2)  }
0x10f: {  	(v2sf) =	vpush v48, $0xF;
	_ =	sdelay $0x1  }
0x110: {  	v48, _, _ =	vpop (xrf2)  }
0x111: {  	(v2sf) =	vpush v48, $0xF;
	_ =	sdelay $0xb  }
0x112: {  	s0 =	spop (v2sf)  }
0x113: {  	s0 =	smul.f32 $7.812500000e-03, s0;
	_ =	sdelay $0x1  }
0x114: {  	s5 =	smul.f32 s0, s0;
	v48 =	vmov s0;
	s0 =	spop (v2sf)  }
0x115: {  	s0 =	smul.f32 $7.812500000e-03, s0;
	v47 =	vsub.f32 v47, v48;
	v45 =	vsub.f32 v45, v48  }
0x116: {  	v44 =	vsub.f32 v44, v48;
	v41 =	vsub.f32 v41, v48  }
0x117: {  	v49 =	vsub.f32 v50, v48;
	v46 =	vsub.f32 v46, v48;
	s0 =	ssub.f32 s0, s5  }
0x118: {  	v42 =	vsub.f32 v42, v48;
	v43 =	vsub.f32 v43, v48  }
0x119: {  	s0 =	sadd.f32 $9.999999960e-13, s0;
	_ =	sdelay $0x1  }
0x11a: {  	s5 =	sshra.s32 s0, $0x1;
	s0 =	smul.f32 $5.000000000e-01, s0  }
0x11b: {  	s5 =	ssub.s32 $0x5F3759DF, s5  }
0x11c: {  	s31 =	smul.f32 s5, s0;
	_ =	sdelay $0x1  }
0x11d: {  	s31 =	smul.f32 s5, s31;
	_ =	sdelay $0x1  }
0x11e: {  	s31 =	ssub.f32 $1.500000000e+00, s31;
	_ =	sdelay $0x1  }
0x11f: {  	s5 =	smul.f32 s5, s31;
	_ =	sdelay $0x1  }
0x120: {  	s31 =	smul.f32 s5, s0;
	_ =	sdelay $0x1  }
0x121: {  	s31 =	smul.f32 s31, s5;
	_ =	sdelay $0x1  }
0x122: {  	s31 =	ssub.f32 $1.500000000e+00, s31;
	_ =	sdelay $0x1  }
0x123: {  	s5 =	smul.f32 s31, s5;
	_ =	sdelay $0x1  }
0x124: {  	s0 =	smul.f32 s5, s0;
	_ =	sdelay $0x1  }
0x125: {  	s0 =	smul.f32 s0, s5;
	_ =	sdelay $0x1  }
0x126: {  	s0 =	ssub.f32 $1.500000000e+00, s0;
	_ =	sdelay $0x1  }
0x127: {  	s0 =	smul.f32 s0, s5;
	_ =	sdelay $0x1  }
0x128: {  	v47 =	vmul.f32 s0, v47;
	v45 =	vmul.f32 s0, v45  }
0x129: {  	v44 =	vmul.f32 s0, v44;
	v41 =	vmul.f32 s0, v41  }
0x12a: {  	v47 =	vmul.f32 v47, v16;
	v45 =	vmul.f32 v45, v18  }
0x12b: {  	v44 =	vmul.f32 v44, v17;
	v41 =	vmul.f32 v41, v19  }
0x12c: {  	v48 =	vmul.f32 s0, v49;
	v46 =	vmul.f32 s0, v46;
	v47 =	vadd.f32 v47, v24  }
0x12d: {  	v42 =	vmul.f32 s0, v42;
	v43 =	vmul.f32 s0, v43;
	v44 =	vadd.f32 v44, v25  }
0x12e: {  	[tilespmem:v39+s21+$0x0] =	vst.idx.msk $0xffff, v47;
	v39 =	vadd.f32 v45, v26;
	v45 =	vmul.f32 v48, v20  }
0x12f: {  	[tilespmem:v40+s21+$0x0] =	vst.idx.msk $0xffff, v44;
	v40 =	vadd.f32 v41, v27;
	v41 =	vmul.f32 v46, v21  }
0x130: {  	s0 =	sadd.s32 $0x1, s30;
	[tilespmem:v38+s21+$0x0] =	vst.idx.msk $0xffff, v39;
	v38 =	vadd.f32 v45, v28;
	v39 =	vmul.f32 v42, v22  }
0x131: {  	[tilespmem:v35+s21+$0x0] =	vst.idx.msk $0xffff, v40;
	v35 =	vadd.f32 v41, v29;
	v40 =	vmul.f32 v43, v23;
	v41 =	vor.u32 s0, v32  }
0x132: {  	[tilespmem:v36+s21+$0x0] =	vst.idx.msk $0xffff, v38;
	v36 =	vadd.f32 v39, v30;
	v38 =	vmov s0  }
0x133: {  	[tilespmem:v37+s21+$0x0] =	vst.idx.msk $0xffff, v35;
	v35 =	vadd.f32 v40, v31;
	v40 =	vshll.u32 v38, $0x7  }
0x134: {  	[tilespmem:v33+s21+$0x0] =	vst.idx.msk $0xffff, v36  }
0x135: {  	[tilespmem:v34+s21+$0x0] =	vst.idx.msk $0xffff, v35  }
0x136: {  	v34 =	vor.u32 v4, v40;
	v38 =	vld.idx.msk [tilespmem:v41+s15+$0x0], $0xffff  }
0x137: {  	v36 =	vor.u32 v3, v40  }
0x138: {  	v35 =	vor.u32 v5, v40  }
0x139: {  	v33 =	vor.u32 v7, v40  }
0x13a: {  	v39 =	vor.u32 v0, v40  }
0x13b: {  	v37 =	vor.u32 v1, v40;
	v41 =	vld.idx.msk [tilespmem:v34+s21+$0x0], $0xffff  }
0x13c: {  	v42 =	vshll.u32 v38, $0x7;
	v38 =	vor.u32 v2, v40;
	v43 =	vld.idx.msk [tilespmem:v36+s21+$0x0], $0xffff  }
0x13d: {  	v44 =	vor.u32 v0, v42;
	v45 =	vor.u32 v1, v42;
	v46 =	vor.u32 v2, v42;
	v47 =	vld.idx.msk [tilespmem:v35+s21+$0x0], $0xffff  }
0x13e: {  	v48 =	vor.u32 v3, v42;
	v49 =	vor.u32 v4, v42;
	v50 =	vor.u32 v5, v42;
	v51 =	vld.idx.msk [tilespmem:v33+s21+$0x0], $0xffff  }
0x13f: {  	v53 =	vor.u32 v6, v42;
	v42 =	vor.u32 v7, v42;
	v52 =	vld.idx.msk [tilespmem:v39+s21+$0x0], $0xffff  }
0x140: {  	v54 =	vld.idx.msk [tilespmem:v37+s21+$0x0], $0xffff  }
0x141: {  	v55 =	vld.idx.msk [tilespmem:v38+s21+$0x0], $0xffff  }
0x142: {  	v46 =	vld.idx.msk [tilespmem:v46+s16+$0x0], $0xffff  }
0x143: {  	v44 =	vld.idx.msk [tilespmem:v44+s16+$0x0], $0xffff  }
0x144: {  	v40 =	vor.u32 v6, v40;
	v45 =	vld.idx.msk [tilespmem:v45+s16+$0x0], $0xffff  }
0x145: {  	v42 =	vld.idx.msk [tilespmem:v42+s16+$0x0], $0xffff  }
0x146: {  	v50 =	vld.idx.msk [tilespmem:v50+s16+$0x0], $0xffff  }
0x147: {  	v48 =	vld.idx.msk [tilespmem:v48+s16+$0x0], $0xffff  }
0x148: {  	v46 =	vadd.f32 v46, v55;
	v53 =	vld.idx.msk [tilespmem:v53+s16+$0x0], $0xffff  }
0x149: {  	v55 =	vld.idx.msk [tilespmem:v40+s21+$0x0], $0xffff  }
0x14a: {  	v45 =	vadd.f32 v45, v54;
	v54 =	vadd.f32 v46, v10;
	v46 =	vld.idx.msk [tilespmem:v49+s16+$0x0], $0xffff  }
0x14b: {  	v44 =	vadd.f32 v44, v52;
	v42 =	vadd.f32 v42, v51  }
0x14c: {  	v45 =	vadd.f32 v45, v9;
	v47 =	vadd.f32 v50, v47  }
0x14d: {  	v44 =	vadd.f32 v44, v8;
	v43 =	vadd.f32 v48, v43;
	v48 =	vmul.f32 v54, v54  }
0x14e: {  	v50 =	vadd.f32 v42, v15;
	v49 =	vadd.f32 v47, v13;
	v42 =	vmul.f32 v45, v45  }
0x14f: {  	v51 =	vmul.f32 v44, v44;
	v43 =	vadd.f32 v43, v11;
	v47 =	vadd.f32 v53, v55  }
0x150: {  	v41 =	vadd.f32 v46, v41;
	v46 =	vmul.f32 v49, v49  }
0x151: {  	v42 =	vadd.f32 v42, v51;
	v52 =	vadd.f32 v47, v14;
	v47 =	vmul.f32 v50, v50  }
0x152: {  	v51 =	vadd.f32 v43, v54;
	v53 =	vmul.f32 v43, v43;
	v41 =	vadd.f32 v41, v12  }
0x153: {  	v55 =	vadd.f32 v45, v44;
	v56 =	vadd.f32 v50, v52;
	v57 =	vmul.f32 v52, v52  }
0x154: {  	v48 =	vadd.f32 v53, v48;
	v58 =	vadd.f32 v49, v41;
	v53 =	vmul.f32 v41, v41  }
0x155: {  	v51 =	vadd.f32 v51, v55;
	v47 =	vadd.f32 v47, v57  }
0x156: {  	v55 =	vadd.f32 v56, v58;
	v46 =	vadd.f32 v46, v53  }
0x157: {  	v42 =	vadd.f32 v48, v42  }
0x158: {  	v48 =	vadd.f32 v55, v51;
	v46 =	vadd.f32 v47, v46;
	_ =	sdelay $0x1  }
0x159: {  	v42 =	vadd.f32 v46, v42;
	(xrf2) =	vadd.scan.msk.f32 $0xffff, v48;
	_ =	sdelay $0x2  }
0x15a: {  	(xrf2) =	vadd.scan.msk.f32 $0xffff, v42;
	_ =	sdelay $0x6  }
0x15b: {  	v42, _, _ =	vpop (xrf2)  }
0x15c: {  	(v2sf) =	vpush v42, $0xF;
	_ =	sdelay $0x1  }
0x15d: {  	v42, _, _ =	vpop (xrf2)  }
0x15e: {  	(v2sf) =	vpush v42, $0xF;
	_ =	sdelay $0xb  }
0x15f: {  	s0 =	spop (v2sf)  }
0x160: {  	s0 =	smul.f32 $7.812500000e-03, s0;
	_ =	sdelay $0x1  }
0x161: {  	s5 =	smul.f32 s0, s0;
	v51 =	vmov s0;
	s0 =	spop (v2sf)  }
0x162: {  	s0 =	smul.f32 $7.812500000e-03, s0;
	v46 =	vsub.f32 v44, v51;
	v47 =	vsub.f32 v45, v51  }
0x163: {  	v48 =	vsub.f32 v54, v51;
	v45 =	vsub.f32 v43, v51  }
0x164: {  	v44 =	vsub.f32 v41, v51;
	v43 =	vsub.f32 v49, v51;
	s0 =	ssub.f32 s0, s5  }
0x165: {  	v42 =	vsub.f32 v52, v51;
	v41 =	vsub.f32 v50, v51  }
0x166: {  	s0 =	sadd.f32 $9.999999960e-13, s0;
	_ =	sdelay $0x1  }
0x167: {  	s5 =	sshra.s32 s0, $0x1;
	s31 =	smul.f32 $5.000000000e-01, s0  }
0x168: {  	s0 =	ssub.s32 $0x5F3759DF, s5  }
0x169: {  	s5 =	smul.f32 s0, s31;
	_ =	sdelay $0x1  }
0x16a: {  	s5 =	smul.f32 s0, s5;
	_ =	sdelay $0x1  }
.Ltmp0:
0x16b: {  	s5 =	ssub.f32 $1.500000000e+00, s5;
	(pc) =	sbr.rel @p0 .LBB2_3-.Ltmp0, $3  }
0x16c: {  	_ = 	snop  }
0x16d: {  	s5 =	smul.f32 s0, s5;
	_ =	sdelay $0x1  }
0x16e: {  	s0 =	smul.f32 s5, s31  }
0x16f: {  	_ = 	snop  }
0x170: {  	s0 =	smul.f32 s0, s5;
	_ =	sdelay $0x1  }
0x171: {  	s0 =	ssub.f32 $1.500000000e+00, s0;
	_ =	sdelay $0x1  }
0x172: {  	s0 =	smul.f32 s0, s5;
	_ =	sdelay $0x1  }
0x173: {  	s5 =	smul.f32 s0, s31;
	_ =	sdelay $0x1  }
0x174: {  	s5 =	smul.f32 s5, s0;
	_ =	sdelay $0x1  }
0x175: {  	s5 =	ssub.f32 $1.500000000e+00, s5;
	_ =	sdelay $0x1  }
0x176: {  	s0 =	smul.f32 s5, s0;
	_ =	sdelay $0x1  }
0x177: {  	v32 =	vmul.f32 s0, v46  }
0x178: {  	v63 =	vmul.f32 s0, v47  }
0x179: {  	v49 =	vmul.f32 s0, v48;
	v32 =	vmul.f32 v32, v16  }
0x17a: {  	v45 =	vmul.f32 s0, v45;
	v46 =	vmul.f32 v63, v17  }
0x17b: {  	v44 =	vmul.f32 s0, v44;
	v47 =	vmul.f32 v49, v18;
	v32 =	vadd.f32 v32, v24  }
0x17c: {  	v43 =	vmul.f32 s0, v43;
	v45 =	vmul.f32 v45, v19;
	v46 =	vadd.f32 v46, v25  }
0x17d: {  	v42 =	vmul.f32 s0, v42;
	v51 =	vmul.f32 v44, v20;
	v50 =	vadd.f32 v47, v26;
	[tilespmem:v39+s21+$0x0] =	vst.idx.msk $0xffff, v32  }
0x17e: {  	v41 =	vmul.f32 s0, v41;
	v43 =	vmul.f32 v43, v21;
	v52 =	vadd.f32 v45, v27;
	[tilespmem:v37+s21+$0x0] =	vst.idx.msk $0xffff, v46  }
0x17f: {  	v54 =	vmul.f32 v42, v22;
	v53 =	vadd.f32 v51, v28;
	[tilespmem:v38+s21+$0x0] =	vst.idx.msk $0xffff, v50  }
0x180: {  	v56 =	vmul.f32 v41, v23;
	v55 =	vadd.f32 v43, v29;
	[tilespmem:v36+s21+$0x0] =	vst.idx.msk $0xffff, v52  }
0x181: {  	s30 =	sshll.u32 s26, $0xF;
	v57 =	vadd.f32 v54, v30;
	[tilespmem:v34+s21+$0x0] =	vst.idx.msk $0xffff, v53  }
0x182: {  	s0 =	sadd.s32 s12, s30;
	v58 =	vadd.f32 v56, v31;
	[tilespmem:v35+s21+$0x0] =	vst.idx.msk $0xffff, v55  }
0x183: {  	s0 =	sshrl.u32 s0, $0x3;
	[tilespmem:v40+s21+$0x0] =	vst.idx.msk $0xffff, v57  }
0x184: {  	p0 =	seq.s32 s26, $0x18;
	s0 =	sadd.s32 s7, s0;
	[tilespmem:v33+s21+$0x0] =	vst.idx.msk $0xffff, v58  }
0x185: {  	[hbm4b:s0+s9] =	stream.linear.scatter [tilespmem:s21], [sflag:$0x3], $0x4000, $0x38;
	[tilespmem:$0x1B380] =	vst v63  }
0x186: {  	s29 =	simm.s32 @!p0 $0x80;
	s0 =	sshll.u32 @!p0 s26, $0x8;
	_ =	swait.ge [sflag:s14], $0x4000  }
0x187: {  	s5 =	simm.s32 $0x0;
	v32 =	vmov s28;
	s0 =	sand.u32 @!p0 $0x3FFFFF00, s0;
	[sflag:s14] =	ssyncset.done $0x0  }
0x188: {  	s30 =	simm.s32 @!p0 $0x3200;
	v59 =	vor.u32 s5, v32;
	s0 =	sadd.s32 @!p0 $0x100, s0;
	[sflag:s14] =	ssyncadd.s32 $0xFFFFC000  }
0x189: {  	v60 =	vmov s5;
	[tilespmem:s30], [sflag:$0x1] =	stream.indirect.gather @!p0 [hbm4b:s1+s29], $0x80, s0, s29, $0xb8;
	[tilespmem:$0x1B380] =	vst v63  }
0x18a: {  	v38 =	vshll.u32 v60, $0x7;
	_ =	swait.ge [sflag:s24], $0x4000  }
0x18b: {  	v35 =	vor.u32 v3, v38;
	[sflag:s24] =	ssyncset.done $0x0  }
0x18c: {  	v33 =	vor.u32 v6, v38;
	[sflag:s24] =	ssyncadd.s32 $0xFFFFC000  }
0x18d: {  	v39 =	vor.u32 v2, v38;
	v61 =	vld.idx.msk [tilespmem:v59+s15+$0x0], $0xffff  }
0x18e: {  	v34 =	vor.u32 v7, v38  }
0x18f: {  	v36 =	vor.u32 v4, v38  }
0x190: {  	v40 =	vor.u32 v0, v38;
	v41 =	vld.idx.msk [tilespmem:v35+s22+$0x0], $0xffff  }
0x191: {  	v37 =	vor.u32 v5, v38;
	v63 =	vld.idx.msk [tilespmem:v33+s22+$0x0], $0xffff  }
0x192: {  	v38 =	vor.u32 v1, v38;
	v57 =	vld.idx.msk [tilespmem:v39+s22+$0x0], $0xffff;
	v62 =	vshll.u32 v61, $0x7  }
0x193: {  	v60 =	vld.idx.msk [tilespmem:v34+s22+$0x0], $0xffff;
	v58 =	vor.u32 v5, v62  }
0x194: {  	v49 =	vld.idx.msk [tilespmem:v36+s22+$0x0], $0xffff;
	v59 =	vor.u32 v0, v62  }
0x195: {  	v51 =	vld.idx.msk [tilespmem:v40+s22+$0x0], $0xffff;
	v61 =	vor.u32 v4, v62  }
0x196: {  	v53 =	vld.idx.msk [tilespmem:v37+s22+$0x0], $0xffff;
	v50 =	vor.u32 v7, v62;
	v52 =	vor.u32 v2, v62  }
0x197: {  	v54 =	vor.u32 v6, v62;
	v55 =	vor.u32 v3, v62;
	v42 =	vor.u32 v1, v62;
	v62 =	vld.idx.msk [tilespmem:v38+s22+$0x0], $0xffff  }
0x198: {  	v45 =	vld.idx.msk [tilespmem:v58+s16+$0x0], $0xffff  }
0x199: {  	v46 =	vld.idx.msk [tilespmem:v59+s16+$0x0], $0xffff  }
0x19a: {  	v48 =	vld.idx.msk [tilespmem:v61+s16+$0x0], $0xffff  }
0x19b: {  	v50 =	vld.idx.msk [tilespmem:v50+s16+$0x0], $0xffff  }
0x19c: {  	v52 =	vld.idx.msk [tilespmem:v52+s16+$0x0], $0xffff  }
0x19d: {  	v54 =	vld.idx.msk [tilespmem:v54+s16+$0x0], $0xffff  }
0x19e: {  	v55 =	vld.idx.msk [tilespmem:v55+s16+$0x0], $0xffff  }
0x19f: {  	v42 =	vld.idx.msk [tilespmem:v42+s16+$0x0], $0xffff  }
0x1a0: {  	v45 =	vadd.f32 v45, v53  }
0x1a1: {  	v46 =	vadd.f32 v46, v51;
	v48 =	vadd.f32 v48, v49  }
0x1a2: {  	v47 =	vadd.f32 v50, v60;
	v44 =	vadd.f32 v52, v57  }
0x1a3: {  	v43 =	vadd.f32 v54, v63;
	v41 =	vadd.f32 v55, v41  }
0x1a4: {  	v42 =	vadd.f32 v42, v62;
	v45 =	vadd.f32 v45, v13  }
0x1a5: {  	v47 =	vadd.f32 v47, v15;
	v44 =	vadd.f32 v44, v10  }
0x1a6: {  	v46 =	vadd.f32 v46, v8;
	v43 =	vadd.f32 v43, v14  }
0x1a7: {  	v41 =	vadd.f32 v41, v11;
	v48 =	vadd.f32 v48, v12  }
0x1a8: {  	v42 =	vadd.f32 v42, v9;
	v49 =	vmul.f32 v45, v45;
	v50 =	vmul.f32 v47, v47  }
0x1a9: {  	v63 =	vadd.f32 v47, v43;
	v52 =	vmul.f32 v44, v44;
	v60 =	vmul.f32 v46, v46  }
0x1aa: {  	v61 =	vmul.f32 v43, v43;
	v62 =	vadd.f32 v41, v44;
	v56 =	vadd.f32 v45, v48  }
0x1ab: {  	v57 =	vmul.f32 v48, v48;
	v58 =	vadd.f32 v42, v46;
	v59 =	vmul.f32 v41, v41  }
0x1ac: {  	v50 =	vadd.f32 v50, v61;
	v51 =	vadd.f32 v63, v56;
	v63 =	vmul.f32 v42, v42  }
0x1ad: {  	v49 =	vadd.f32 v49, v57;
	v55 =	vadd.f32 v62, v58  }
0x1ae: {  	v52 =	vadd.f32 v59, v52;
	v53 =	vadd.f32 v63, v60  }
0x1af: {  	v51 =	vadd.f32 v51, v55  }
0x1b0: {  	v49 =	vadd.f32 v50, v49;
	v59 =	vadd.f32 v52, v53  }
0x1b1: {  	(xrf2) =	vadd.scan.msk.f32 $0xffff, v51  }
0x1b2: {  	v49 =	vadd.f32 v49, v59;
	_ =	sdelay $0x1  }
0x1b3: {  	(xrf2) =	vadd.scan.msk.f32 $0xffff, v49;
	_ =	sdelay $0x6  }
0x1b4: {  	v60, _, _ =	vpop (xrf2)  }
0x1b5: {  	(v2sf) =	vpush v60, $0xF;
	_ =	sdelay $0x1  }
0x1b6: {  	v61, _, _ =	vpop (xrf2)  }
0x1b7: {  	(v2sf) =	vpush v61, $0xF;
	_ =	sdelay $0xb  }
0x1b8: {  	s5 =	spop (v2sf)  }
0x1b9: {  	s0 =	smul.f32 $7.812500000e-03, s5;
	_ =	sdelay $0x1  }
0x1ba: {  	s30 =	smul.f32 s0, s0;
	s29 =	spop (v2sf)  }
0x1bb: {  	s29 =	smul.f32 $7.812500000e-03, s29;
	_ =	sdelay $0x1  }
0x1bc: {  	s5 =	ssub.f32 s29, s30;
	_ =	sdelay $0x1  }
0x1bd: {  	s5 =	sadd.f32 $9.999999960e-13, s5;
	_ =	sdelay $0x1  }
0x1be: {  	s29 =	sshra.s32 s5, $0x1;
	s5 =	smul.f32 $5.000000000e-01, s5  }
0x1bf: {  	s29 =	ssub.s32 $0x5F3759DF, s29  }
0x1c0: {  	s30 =	smul.f32 s29, s5;
	_ =	sdelay $0x1  }
0x1c1: {  	s30 =	smul.f32 s29, s30;
	_ =	sdelay $0x1  }
0x1c2: {  	s30 =	ssub.f32 $1.500000000e+00, s30;
	_ =	sdelay $0x1  }
0x1c3: {  	s29 =	smul.f32 s29, s30;
	_ =	sdelay $0x1  }
0x1c4: {  	s30 =	smul.f32 s29, s5;
	_ =	sdelay $0x1  }
0x1c5: {  	s30 =	smul.f32 s30, s29;
	_ =	sdelay $0x1  }
0x1c6: {  	s30 =	ssub.f32 $1.500000000e+00, s30;
	_ =	sdelay $0x1  }
0x1c7: {  	s29 =	smul.f32 s30, s29;
	_ =	sdelay $0x1  }
0x1c8: {  	s5 =	smul.f32 s29, s5;
	_ =	sdelay $0x1  }
0x1c9: {  	s5 =	smul.f32 s5, s29;
	_ =	sdelay $0x1  }
0x1ca: {  	s5 =	ssub.f32 $1.500000000e+00, s5  }
0x1cb: {  	v62 =	vmov s0  }
0x1cc: {  	v46 =	vsub.f32 v46, v62;
	s5 =	smul.f32 s5, s29  }
0x1cd: {  	v42 =	vsub.f32 v42, v62  }
0x1ce: {  	v44 =	vsub.f32 v44, v62;
	v41 =	vsub.f32 v41, v62;
	v46 =	vmul.f32 s5, v46  }
0x1cf: {  	v48 =	vsub.f32 v48, v62;
	v45 =	vsub.f32 v45, v62;
	v42 =	vmul.f32 s5, v42  }
0x1d0: {  	v43 =	vsub.f32 v43, v62;
	v44 =	vmul.f32 s5, v44;
	v46 =	vmul.f32 v46, v16  }
0x1d1: {  	v47 =	vsub.f32 v47, v62;
	v41 =	vmul.f32 s5, v41;
	v42 =	vmul.f32 v42, v17  }
0x1d2: {  	v48 =	vmul.f32 s5, v48;
	v44 =	vmul.f32 v44, v18;
	v46 =	vadd.f32 v46, v24  }
0x1d3: {  	v45 =	vmul.f32 s5, v45;
	v41 =	vmul.f32 v41, v19;
	v42 =	vadd.f32 v42, v25  }
0x1d4: {  	v43 =	vmul.f32 s5, v43;
	v48 =	vmul.f32 v48, v20;
	v63 =	vadd.f32 v44, v26;
	[tilespmem:v40+s22+$0x0] =	vst.idx.msk $0xffff, v46  }
0x1d5: {  	v49 =	vmul.f32 s5, v47;
	v51 =	vmul.f32 v45, v21;
	v50 =	vadd.f32 v41, v27;
	[tilespmem:v38+s22+$0x0] =	vst.idx.msk $0xffff, v42  }
0x1d6: {  	s30 =	simm.s32 $0x1;
	v53 =	vmul.f32 v43, v22;
	v52 =	vadd.f32 v48, v28;
	[tilespmem:v39+s22+$0x0] =	vst.idx.msk $0xffff, v63  }
0x1d7: {  	v56 =	vor.u32 s30, v32;
	v55 =	vmul.f32 v49, v23;
	v54 =	vadd.f32 v51, v29;
	[tilespmem:v35+s22+$0x0] =	vst.idx.msk $0xffff, v50  }
0x1d8: {  	v57 =	vadd.f32 v53, v30;
	[tilespmem:v36+s22+$0x0] =	vst.idx.msk $0xffff, v52  }
0x1d9: {  	v59 =	vadd.f32 v55, v31;
	[tilespmem:v37+s22+$0x0] =	vst.idx.msk $0xffff, v54  }
0x1da: {  	v58 =	vmov s30;
	[tilespmem:v33+s22+$0x0] =	vst.idx.msk $0xffff, v57  }
0x1db: {  	v40 =	vshll.u32 v58, $0x7;
	[tilespmem:v34+s22+$0x0] =	vst.idx.msk $0xffff, v59  }
0x1dc: {  	v35 =	vor.u32 v5, v40;
	v60 =	vld.idx.msk [tilespmem:v56+s15+$0x0], $0xffff  }
0x1dd: {  	v39 =	vor.u32 v0, v40  }
0x1de: {  	v38 =	vor.u32 v2, v40  }
0x1df: {  	v36 =	vor.u32 v3, v40  }
0x1e0: {  	v37 =	vor.u32 v1, v40  }
0x1e1: {  	v33 =	vor.u32 v7, v40;
	v45 =	vld.idx.msk [tilespmem:v35+s22+$0x0], $0xffff;
	v42 =	vshll.u32 v60, $0x7  }
0x1e2: {  	v49 =	vld.idx.msk [tilespmem:v39+s22+$0x0], $0xffff;
	v61 =	vor.u32 v2, v42  }
0x1e3: {  	v59 =	vld.idx.msk [tilespmem:v38+s22+$0x0], $0xffff;
	v46 =	vor.u32 v0, v42  }
0x1e4: {  	v43 =	vld.idx.msk [tilespmem:v36+s22+$0x0], $0xffff;
	v62 =	vor.u32 v1, v42  }
0x1e5: {  	v57 =	vld.idx.msk [tilespmem:v37+s22+$0x0], $0xffff;
	v63 =	vor.u32 v7, v42  }
0x1e6: {  	v47 =	vld.idx.msk [tilespmem:v33+s22+$0x0], $0xffff;
	v58 =	vor.u32 v5, v42  }
0x1e7: {  	v60 =	vor.u32 v3, v42;
	v44 =	vld.idx.msk [tilespmem:v61+s16+$0x0], $0xffff  }
0x1e8: {  	v34 =	vor.u32 v4, v40;
	v46 =	vld.idx.msk [tilespmem:v46+s16+$0x0], $0xffff  }
0x1e9: {  	v40 =	vor.u32 v6, v40;
	v48 =	vld.idx.msk [tilespmem:v62+s16+$0x0], $0xffff  }
0x1ea: {  	v61 =	vor.u32 v6, v42;
	v50 =	vld.idx.msk [tilespmem:v63+s16+$0x0], $0xffff  }
0x1eb: {  	v42 =	vor.u32 v4, v42;
	v52 =	vld.idx.msk [tilespmem:v58+s16+$0x0], $0xffff  }
0x1ec: {  	v54 =	vld.idx.msk [tilespmem:v60+s16+$0x0], $0xffff  }
0x1ed: {  	v41 =	vld.idx.msk [tilespmem:v34+s22+$0x0], $0xffff  }
0x1ee: {  	v63 =	vld.idx.msk [tilespmem:v40+s22+$0x0], $0xffff  }
0x1ef: {  	v44 =	vadd.f32 v44, v59;
	v62 =	vld.idx.msk [tilespmem:v61+s16+$0x0], $0xffff;
	v48 =	vadd.f32 v48, v57  }
0x1f0: {  	v42 =	vld.idx.msk [tilespmem:v42+s16+$0x0], $0xffff;
	v46 =	vadd.f32 v46, v49;
	v47 =	vadd.f32 v50, v47  }
0x1f1: {  	v45 =	vadd.f32 v52, v45;
	v43 =	vadd.f32 v54, v43  }
0x1f2: {  	v44 =	vadd.f32 v44, v10;
	v48 =	vadd.f32 v48, v9  }
0x1f3: {  	v46 =	vadd.f32 v46, v8;
	v49 =	vadd.f32 v45, v13  }
0x1f4: {  	v50 =	vadd.f32 v47, v15;
	v43 =	vadd.f32 v43, v11  }
0x1f5: {  	v58 =	vmul.f32 v48, v48;
	v57 =	vadd.f32 v62, v63;
	v41 =	vadd.f32 v42, v41  }
0x1f6: {  	v59 =	vmul.f32 v46, v46;
	v45 =	vmul.f32 v49, v49;
	v51 =	vadd.f32 v43, v44  }
0x1f7: {  	v53 =	vmul.f32 v43, v43;
	v52 =	vadd.f32 v57, v14;
	v41 =	vadd.f32 v41, v12  }
0x1f8: {  	v60 =	vadd.f32 v48, v46;
	v55 =	vmul.f32 v50, v50;
	v47 =	vadd.f32 v58, v59  }
0x1f9: {  	v42 =	vmul.f32 v44, v44;
	v61 =	vadd.f32 v50, v52;
	v62 =	vadd.f32 v49, v41  }
0x1fa: {  	v51 =	vadd.f32 v51, v60;
	v63 =	vmul.f32 v52, v52;
	v59 =	vmul.f32 v41, v41  }
0x1fb: {  	v42 =	vadd.f32 v53, v42;
	v60 =	vadd.f32 v61, v62  }
0x1fc: {  	v55 =	vadd.f32 v55, v63;
	v45 =	vadd.f32 v45, v59  }
0x1fd: {  	v51 =	vadd.f32 v60, v51  }
0x1fe: {  	v42 =	vadd.f32 v42, v47;
	v45 =	vadd.f32 v55, v45  }
0x1ff: {  	(xrf2) =	vadd.scan.msk.f32 $0xffff, v51  }
0x200: {  	v42 =	vadd.f32 v45, v42;
	_ =	sdelay $0x1  }
0x201: {  	(xrf2) =	vadd.scan.msk.f32 $0xffff, v42;
	_ =	sdelay $0x6  }
0x202: {  	v61, _, _ =	vpop (xrf2)  }
0x203: {  	(v2sf) =	vpush v61, $0xF;
	_ =	sdelay $0x1  }
0x204: {  	v62, _, _ =	vpop (xrf2)  }
0x205: {  	(v2sf) =	vpush v62, $0xF;
	_ =	sdelay $0xb  }
0x206: {  	s5 =	spop (v2sf)  }
0x207: {  	s0 =	smul.f32 $7.812500000e-03, s5;
	_ =	sdelay $0x1  }
0x208: {  	s29 =	spop (v2sf);
	s30 =	smul.f32 s0, s0  }
0x209: {  	s29 =	smul.f32 $7.812500000e-03, s29;
	_ =	sdelay $0x1  }
0x20a: {  	s5 =	ssub.f32 s29, s30;
	_ =	sdelay $0x1  }
0x20b: {  	s5 =	sadd.f32 $9.999999960e-13, s5;
	_ =	sdelay $0x1  }
0x20c: {  	s29 =	sshra.s32 s5, $0x1;
	s31 =	smul.f32 $5.000000000e-01, s5  }
0x20d: {  	s5 =	ssub.s32 $0x5F3759DF, s29  }
0x20e: {  	s29 =	smul.f32 s5, s31;
	_ =	sdelay $0x1  }
0x20f: {  	s29 =	smul.f32 s5, s29;
	_ =	sdelay $0x1  }
0x210: {  	v63 =	vmov s0;
	s30 =	ssub.f32 $1.500000000e+00, s29  }
0x211: {  	v46 =	vsub.f32 v46, v63;
	v47 =	vsub.f32 v48, v63  }
0x212: {  	v48 =	vsub.f32 v44, v63;
	v45 =	vsub.f32 v43, v63;
	s5 =	smul.f32 s5, s30  }
0x213: {  	v44 =	vsub.f32 v41, v63;
	v43 =	vsub.f32 v49, v63  }
0x214: {  	v42 =	vsub.f32 v52, v63;
	v41 =	vsub.f32 v50, v63;
	s29 =	simm.s32 $0x2;
	s0 =	smul.f32 s5, s31  }
.LBB2_5:
0x215: {  	p0 =	slt.u32 s29, $0x7E;
	s30 =	smov.u32 s29;
	s29 =	sadd.s32 $0x2, s29  }
0x216: {  	s0 =	smul.f32 s0, s5;
	_ =	sdelay $0x1  }
0x217: {  	s0 =	ssub.f32 $1.500000000e+00, s0;
	_ =	sdelay $0x1  }
0x218: {  	s0 =	smul.f32 s0, s5;
	_ =	sdelay $0x1  }
0x219: {  	s5 =	smul.f32 s0, s31;
	_ =	sdelay $0x1  }
0x21a: {  	s5 =	smul.f32 s5, s0;
	_ =	sdelay $0x1  }
0x21b: {  	s5 =	ssub.f32 $1.500000000e+00, s5;
	_ =	sdelay $0x1  }
0x21c: {  	s0 =	smul.f32 s5, s0  }
0x21d: {  	v49 =	vor.u32 s30, v32  }
0x21e: {  	v46 =	vmul.f32 s0, v46;
	v47 =	vmul.f32 s0, v47  }
0x21f: {  	v48 =	vmul.f32 s0, v48;
	v45 =	vmul.f32 s0, v45  }
0x220: {  	v46 =	vmul.f32 v46, v16;
	v47 =	vmul.f32 v47, v17  }
0x221: {  	v48 =	vmul.f32 v48, v18;
	v45 =	vmul.f32 v45, v19  }
0x222: {  	v44 =	vmul.f32 s0, v44;
	v43 =	vmul.f32 s0, v43;
	v46 =	vadd.f32 v46, v24  }
0x223: {  	v42 =	vmul.f32 s0, v42;
	v41 =	vmul.f32 s0, v41;
	v47 =	vadd.f32 v47, v25  }
0x224: {  	v44 =	vmul.f32 v44, v20;
	[tilespmem:v39+s22+$0x0] =	vst.idx.msk $0xffff, v46;
	v39 =	vadd.f32 v48, v26  }
0x225: {  	v43 =	vmul.f32 v43, v21;
	[tilespmem:v37+s22+$0x0] =	vst.idx.msk $0xffff, v47;
	v37 =	vadd.f32 v45, v27  }
0x226: {  	[tilespmem:v38+s22+$0x0] =	vst.idx.msk $0xffff, v39;
	v38 =	vadd.f32 v44, v28;
	v39 =	vmul.f32 v42, v22  }
0x227: {  	[tilespmem:v36+s22+$0x0] =	vst.idx.msk $0xffff, v37;
	v36 =	vadd.f32 v43, v29;
	v37 =	vmul.f32 v41, v23  }
0x228: {  	[tilespmem:v34+s22+$0x0] =	vst.idx.msk $0xffff, v38;
	v34 =	vadd.f32 v39, v30  }
0x229: {  	[tilespmem:v35+s22+$0x0] =	vst.idx.msk $0xffff, v36;
	v35 =	vadd.f32 v37, v31  }
0x22a: {  	v36 =	vmov s30;
	[tilespmem:v40+s22+$0x0] =	vst.idx.msk $0xffff, v34  }
0x22b: {  	v40 =	vshll.u32 v36, $0x7;
	[tilespmem:v33+s22+$0x0] =	vst.idx.msk $0xffff, v35  }
0x22c: {  	v35 =	vor.u32 v3, v40;
	v37 =	vld.idx.msk [tilespmem:v49+s15+$0x0], $0xffff  }
0x22d: {  	v33 =	vor.u32 v6, v40  }
0x22e: {  	v38 =	vor.u32 v2, v40  }
0x22f: {  	v34 =	vor.u32 v7, v40  }
0x230: {  	v36 =	vor.u32 v4, v40  }
0x231: {  	v39 =	vor.u32 v0, v40;
	v41 =	vld.idx.msk [tilespmem:v35+s22+$0x0], $0xffff  }
0x232: {  	v42 =	vshll.u32 v37, $0x7;
	v37 =	vor.u32 v5, v40;
	v43 =	vld.idx.msk [tilespmem:v33+s22+$0x0], $0xffff  }
0x233: {  	v44 =	vor.u32 v1, v42;
	v46 =	vor.u32 v5, v42;
	v47 =	vor.u32 v7, v42;
	v45 =	vld.idx.msk [tilespmem:v38+s22+$0x0], $0xffff  }
0x234: {  	v48 =	vor.u32 v0, v42;
	v49 =	vor.u32 v2, v42;
	v50 =	vor.u32 v4, v42;
	v51 =	vld.idx.msk [tilespmem:v34+s22+$0x0], $0xffff  }
0x235: {  	v52 =	vor.u32 v3, v42;
	v53 =	vld.idx.msk [tilespmem:v36+s22+$0x0], $0xffff  }
0x236: {  	v54 =	vld.idx.msk [tilespmem:v39+s22+$0x0], $0xffff  }
0x237: {  	v42 =	vor.u32 v6, v42;
	v55 =	vld.idx.msk [tilespmem:v37+s22+$0x0], $0xffff  }
0x238: {  	v46 =	vld.idx.msk [tilespmem:v46+s16+$0x0], $0xffff  }
0x239: {  	v48 =	vld.idx.msk [tilespmem:v48+s16+$0x0], $0xffff  }
0x23a: {  	v50 =	vld.idx.msk [tilespmem:v50+s16+$0x0], $0xffff  }
0x23b: {  	v40 =	vor.u32 v1, v40;
	v47 =	vld.idx.msk [tilespmem:v47+s16+$0x0], $0xffff  }
0x23c: {  	v49 =	vld.idx.msk [tilespmem:v49+s16+$0x0], $0xffff  }
0x23d: {  	v42 =	vld.idx.msk [tilespmem:v42+s16+$0x0], $0xffff  }
0x23e: {  	v46 =	vadd.f32 v46, v55;
	v52 =	vld.idx.msk [tilespmem:v52+s16+$0x0], $0xffff  }
0x23f: {  	v48 =	vadd.f32 v48, v54;
	v44 =	vld.idx.msk [tilespmem:v44+s16+$0x0], $0xffff  }
0x240: {  	v50 =	vadd.f32 v50, v53;
	v54 =	vld.idx.msk [tilespmem:v40+s22+$0x0], $0xffff  }
0x241: {  	v47 =	vadd.f32 v47, v51  }
0x242: {  	v46 =	vadd.f32 v46, v13;
	v45 =	vadd.f32 v49, v45  }
0x243: {  	v42 =	vadd.f32 v42, v43;
	v43 =	vadd.f32 v47, v15  }
0x244: {  	v45 =	vadd.f32 v45, v10;
	v41 =	vadd.f32 v52, v41  }
0x245: {  	v47 =	vadd.f32 v48, v8;
	v48 =	vmul.f32 v46, v46;
	v42 =	vadd.f32 v42, v14  }
0x246: {  	v49 =	vmul.f32 v43, v43;
	v44 =	vadd.f32 v44, v54;
	v41 =	vadd.f32 v41, v11  }
0x247: {  	v50 =	vadd.f32 v50, v12;
	v52 =	vmul.f32 v45, v45;
	v51 =	vadd.f32 v43, v42  }
0x248: {  	v53 =	vmul.f32 v47, v47;
	v54 =	vmul.f32 v42, v42;
	v44 =	vadd.f32 v44, v9  }
0x249: {  	v56 =	vadd.f32 v46, v50;
	v57 =	vmul.f32 v50, v50;
	v55 =	vadd.f32 v41, v45  }
0x24a: {  	v59 =	vmul.f32 v41, v41;
	v49 =	vadd.f32 v49, v54;
	v58 =	vadd.f32 v44, v47  }
0x24b: {  	v48 =	vadd.f32 v48, v57;
	v51 =	vadd.f32 v51, v56;
	v54 =	vmul.f32 v44, v44  }
0x24c: {  	v52 =	vadd.f32 v59, v52;
	v55 =	vadd.f32 v55, v58  }
0x24d: {  	v48 =	vadd.f32 v49, v48;
	v53 =	vadd.f32 v54, v53  }
0x24e: {  	v49 =	vadd.f32 v51, v55  }
0x24f: {  	v51 =	vadd.f32 v52, v53  }
0x250: {  	(xrf2) =	vadd.scan.msk.f32 $0xffff, v49  }
0x251: {  	v48 =	vadd.f32 v48, v51;
	_ =	sdelay $0x1  }
0x252: {  	(xrf2) =	vadd.scan.msk.f32 $0xffff, v48;
	_ =	sdelay $0x6  }
0x253: {  	v48, _, _ =	vpop (xrf2)  }
0x254: {  	(v2sf) =	vpush v48, $0xF;
	_ =	sdelay $0x1  }
0x255: {  	v48, _, _ =	vpop (xrf2)  }
0x256: {  	(v2sf) =	vpush v48, $0xF;
	_ =	sdelay $0xb  }
0x257: {  	s0 =	spop (v2sf)  }
0x258: {  	s0 =	smul.f32 $7.812500000e-03, s0;
	_ =	sdelay $0x1  }
0x259: {  	s5 =	smul.f32 s0, s0;
	v48 =	vmov s0;
	s0 =	spop (v2sf)  }
0x25a: {  	s0 =	smul.f32 $7.812500000e-03, s0;
	v47 =	vsub.f32 v47, v48;
	v45 =	vsub.f32 v45, v48  }
0x25b: {  	v44 =	vsub.f32 v44, v48;
	v41 =	vsub.f32 v41, v48  }
0x25c: {  	v49 =	vsub.f32 v50, v48;
	v46 =	vsub.f32 v46, v48;
	s0 =	ssub.f32 s0, s5  }
0x25d: {  	v42 =	vsub.f32 v42, v48;
	v43 =	vsub.f32 v43, v48  }
0x25e: {  	s0 =	sadd.f32 $9.999999960e-13, s0;
	_ =	sdelay $0x1  }
0x25f: {  	s5 =	sshra.s32 s0, $0x1;
	s0 =	smul.f32 $5.000000000e-01, s0  }
0x260: {  	s5 =	ssub.s32 $0x5F3759DF, s5  }
0x261: {  	s31 =	smul.f32 s5, s0;
	_ =	sdelay $0x1  }
0x262: {  	s31 =	smul.f32 s5, s31;
	_ =	sdelay $0x1  }
0x263: {  	s31 =	ssub.f32 $1.500000000e+00, s31;
	_ =	sdelay $0x1  }
0x264: {  	s5 =	smul.f32 s5, s31;
	_ =	sdelay $0x1  }
0x265: {  	s31 =	smul.f32 s5, s0;
	_ =	sdelay $0x1  }
0x266: {  	s31 =	smul.f32 s31, s5;
	_ =	sdelay $0x1  }
0x267: {  	s31 =	ssub.f32 $1.500000000e+00, s31;
	_ =	sdelay $0x1  }
0x268: {  	s5 =	smul.f32 s31, s5;
	_ =	sdelay $0x1  }
0x269: {  	s0 =	smul.f32 s5, s0;
	_ =	sdelay $0x1  }
0x26a: {  	s0 =	smul.f32 s0, s5;
	_ =	sdelay $0x1  }
0x26b: {  	s0 =	ssub.f32 $1.500000000e+00, s0;
	_ =	sdelay $0x1  }
0x26c: {  	s0 =	smul.f32 s0, s5;
	_ =	sdelay $0x1  }
0x26d: {  	v47 =	vmul.f32 s0, v47;
	v45 =	vmul.f32 s0, v45  }
0x26e: {  	v44 =	vmul.f32 s0, v44;
	v41 =	vmul.f32 s0, v41  }
0x26f: {  	v47 =	vmul.f32 v47, v16;
	v45 =	vmul.f32 v45, v18  }
0x270: {  	v44 =	vmul.f32 v44, v17;
	v41 =	vmul.f32 v41, v19  }
0x271: {  	v48 =	vmul.f32 s0, v49;
	v46 =	vmul.f32 s0, v46;
	v47 =	vadd.f32 v47, v24  }
0x272: {  	v42 =	vmul.f32 s0, v42;
	v43 =	vmul.f32 s0, v43;
	v44 =	vadd.f32 v44, v25  }
0x273: {  	[tilespmem:v39+s22+$0x0] =	vst.idx.msk $0xffff, v47;
	v39 =	vadd.f32 v45, v26;
	v45 =	vmul.f32 v48, v20  }
0x274: {  	[tilespmem:v40+s22+$0x0] =	vst.idx.msk $0xffff, v44;
	v40 =	vadd.f32 v41, v27;
	v41 =	vmul.f32 v46, v21  }
0x275: {  	s0 =	sadd.s32 $0x1, s30;
	[tilespmem:v38+s22+$0x0] =	vst.idx.msk $0xffff, v39;
	v38 =	vadd.f32 v45, v28;
	v39 =	vmul.f32 v42, v22  }
0x276: {  	[tilespmem:v35+s22+$0x0] =	vst.idx.msk $0xffff, v40;
	v35 =	vadd.f32 v41, v29;
	v40 =	vmul.f32 v43, v23;
	v41 =	vor.u32 s0, v32  }
0x277: {  	[tilespmem:v36+s22+$0x0] =	vst.idx.msk $0xffff, v38;
	v36 =	vadd.f32 v39, v30;
	v38 =	vmov s0  }
0x278: {  	[tilespmem:v37+s22+$0x0] =	vst.idx.msk $0xffff, v35;
	v35 =	vadd.f32 v40, v31;
	v40 =	vshll.u32 v38, $0x7  }
0x279: {  	[tilespmem:v33+s22+$0x0] =	vst.idx.msk $0xffff, v36  }
0x27a: {  	[tilespmem:v34+s22+$0x0] =	vst.idx.msk $0xffff, v35  }
0x27b: {  	v34 =	vor.u32 v4, v40;
	v38 =	vld.idx.msk [tilespmem:v41+s15+$0x0], $0xffff  }
0x27c: {  	v36 =	vor.u32 v3, v40  }
0x27d: {  	v35 =	vor.u32 v5, v40  }
0x27e: {  	v33 =	vor.u32 v7, v40  }
0x27f: {  	v39 =	vor.u32 v0, v40  }
0x280: {  	v37 =	vor.u32 v1, v40;
	v41 =	vld.idx.msk [tilespmem:v34+s22+$0x0], $0xffff  }
0x281: {  	v42 =	vshll.u32 v38, $0x7;
	v38 =	vor.u32 v2, v40;
	v43 =	vld.idx.msk [tilespmem:v36+s22+$0x0], $0xffff  }
0x282: {  	v44 =	vor.u32 v0, v42;
	v45 =	vor.u32 v1, v42;
	v46 =	vor.u32 v2, v42;
	v47 =	vld.idx.msk [tilespmem:v35+s22+$0x0], $0xffff  }
0x283: {  	v48 =	vor.u32 v3, v42;
	v49 =	vor.u32 v4, v42;
	v50 =	vor.u32 v5, v42;
	v51 =	vld.idx.msk [tilespmem:v33+s22+$0x0], $0xffff  }
0x284: {  	v53 =	vor.u32 v6, v42;
	v42 =	vor.u32 v7, v42;
	v52 =	vld.idx.msk [tilespmem:v39+s22+$0x0], $0xffff  }
0x285: {  	v54 =	vld.idx.msk [tilespmem:v37+s22+$0x0], $0xffff  }
0x286: {  	v55 =	vld.idx.msk [tilespmem:v38+s22+$0x0], $0xffff  }
0x287: {  	v46 =	vld.idx.msk [tilespmem:v46+s16+$0x0], $0xffff  }
0x288: {  	v44 =	vld.idx.msk [tilespmem:v44+s16+$0x0], $0xffff  }
0x289: {  	v40 =	vor.u32 v6, v40;
	v45 =	vld.idx.msk [tilespmem:v45+s16+$0x0], $0xffff  }
0x28a: {  	v42 =	vld.idx.msk [tilespmem:v42+s16+$0x0], $0xffff  }
0x28b: {  	v50 =	vld.idx.msk [tilespmem:v50+s16+$0x0], $0xffff  }
0x28c: {  	v48 =	vld.idx.msk [tilespmem:v48+s16+$0x0], $0xffff  }
0x28d: {  	v46 =	vadd.f32 v46, v55;
	v53 =	vld.idx.msk [tilespmem:v53+s16+$0x0], $0xffff  }
0x28e: {  	v55 =	vld.idx.msk [tilespmem:v40+s22+$0x0], $0xffff  }
0x28f: {  	v45 =	vadd.f32 v45, v54;
	v54 =	vadd.f32 v46, v10;
	v46 =	vld.idx.msk [tilespmem:v49+s16+$0x0], $0xffff  }
0x290: {  	v44 =	vadd.f32 v44, v52;
	v42 =	vadd.f32 v42, v51  }
0x291: {  	v45 =	vadd.f32 v45, v9;
	v47 =	vadd.f32 v50, v47  }
0x292: {  	v44 =	vadd.f32 v44, v8;
	v43 =	vadd.f32 v48, v43;
	v48 =	vmul.f32 v54, v54  }
0x293: {  	v50 =	vadd.f32 v42, v15;
	v49 =	vadd.f32 v47, v13;
	v42 =	vmul.f32 v45, v45  }
0x294: {  	v51 =	vmul.f32 v44, v44;
	v43 =	vadd.f32 v43, v11;
	v47 =	vadd.f32 v53, v55  }
0x295: {  	v41 =	vadd.f32 v46, v41;
	v46 =	vmul.f32 v49, v49  }
0x296: {  	v42 =	vadd.f32 v42, v51;
	v52 =	vadd.f32 v47, v14;
	v47 =	vmul.f32 v50, v50  }
0x297: {  	v51 =	vadd.f32 v43, v54;
	v53 =	vmul.f32 v43, v43;
	v41 =	vadd.f32 v41, v12  }
0x298: {  	v55 =	vadd.f32 v45, v44;
	v56 =	vadd.f32 v50, v52;
	v57 =	vmul.f32 v52, v52  }
0x299: {  	v48 =	vadd.f32 v53, v48;
	v58 =	vadd.f32 v49, v41;
	v53 =	vmul.f32 v41, v41  }
0x29a: {  	v51 =	vadd.f32 v51, v55;
	v47 =	vadd.f32 v47, v57  }
0x29b: {  	v55 =	vadd.f32 v56, v58;
	v46 =	vadd.f32 v46, v53  }
0x29c: {  	v42 =	vadd.f32 v48, v42  }
0x29d: {  	v48 =	vadd.f32 v55, v51;
	v46 =	vadd.f32 v47, v46;
	_ =	sdelay $0x1  }
0x29e: {  	v42 =	vadd.f32 v46, v42;
	(xrf2) =	vadd.scan.msk.f32 $0xffff, v48;
	_ =	sdelay $0x2  }
0x29f: {  	(xrf2) =	vadd.scan.msk.f32 $0xffff, v42;
	_ =	sdelay $0x6  }
0x2a0: {  	v42, _, _ =	vpop (xrf2)  }
0x2a1: {  	(v2sf) =	vpush v42, $0xF;
	_ =	sdelay $0x1  }
0x2a2: {  	v42, _, _ =	vpop (xrf2)  }
0x2a3: {  	(v2sf) =	vpush v42, $0xF;
	_ =	sdelay $0xb  }
0x2a4: {  	s0 =	spop (v2sf)  }
0x2a5: {  	s0 =	smul.f32 $7.812500000e-03, s0;
	_ =	sdelay $0x1  }
0x2a6: {  	s5 =	smul.f32 s0, s0;
	v51 =	vmov s0;
	s0 =	spop (v2sf)  }
0x2a7: {  	s0 =	smul.f32 $7.812500000e-03, s0;
	v46 =	vsub.f32 v44, v51;
	v47 =	vsub.f32 v45, v51  }
0x2a8: {  	v48 =	vsub.f32 v54, v51;
	v45 =	vsub.f32 v43, v51  }
0x2a9: {  	v44 =	vsub.f32 v41, v51;
	v43 =	vsub.f32 v49, v51;
	s0 =	ssub.f32 s0, s5  }
0x2aa: {  	v42 =	vsub.f32 v52, v51;
	v41 =	vsub.f32 v50, v51  }
0x2ab: {  	s0 =	sadd.f32 $9.999999960e-13, s0;
	_ =	sdelay $0x1  }
0x2ac: {  	s5 =	sshra.s32 s0, $0x1;
	s31 =	smul.f32 $5.000000000e-01, s0  }
0x2ad: {  	s0 =	ssub.s32 $0x5F3759DF, s5  }
0x2ae: {  	s5 =	smul.f32 s0, s31;
	_ =	sdelay $0x1  }
0x2af: {  	s5 =	smul.f32 s0, s5;
	_ =	sdelay $0x1  }
.Ltmp1:
0x2b0: {  	s5 =	ssub.f32 $1.500000000e+00, s5;
	(pc) =	sbr.rel @p0 .LBB2_5-.Ltmp1, $3  }
0x2b1: {  	_ = 	snop  }
0x2b2: {  	s5 =	smul.f32 s0, s5;
	_ =	sdelay $0x1  }
0x2b3: {  	s0 =	smul.f32 s5, s31  }
0x2b4: {  	_ = 	snop  }
0x2b5: {  	s0 =	smul.f32 s0, s5;
	_ =	sdelay $0x1  }
0x2b6: {  	s0 =	ssub.f32 $1.500000000e+00, s0;
	_ =	sdelay $0x1  }
0x2b7: {  	s0 =	smul.f32 s0, s5;
	_ =	sdelay $0x1  }
0x2b8: {  	s5 =	smul.f32 s0, s31;
	_ =	sdelay $0x1  }
0x2b9: {  	s5 =	smul.f32 s5, s0;
	_ =	sdelay $0x1  }
0x2ba: {  	s5 =	ssub.f32 $1.500000000e+00, s5;
	_ =	sdelay $0x1  }
0x2bb: {  	s0 =	smul.f32 s5, s0;
	_ =	sdelay $0x1  }
0x2bc: {  	v32 =	vmul.f32 s0, v46  }
0x2bd: {  	v53 =	vmul.f32 s0, v47  }
0x2be: {  	v54 =	vmul.f32 s0, v48;
	v32 =	vmul.f32 v32, v16  }
0x2bf: {  	v45 =	vmul.f32 s0, v45;
	v46 =	vmul.f32 v53, v17  }
0x2c0: {  	v44 =	vmul.f32 s0, v44;
	v47 =	vmul.f32 v54, v18;
	v32 =	vadd.f32 v32, v24  }
0x2c1: {  	v43 =	vmul.f32 s0, v43;
	v45 =	vmul.f32 v45, v19;
	v46 =	vadd.f32 v46, v25  }
0x2c2: {  	v42 =	vmul.f32 s0, v42;
	v56 =	vmul.f32 v44, v20;
	v55 =	vadd.f32 v47, v26;
	[tilespmem:v39+s22+$0x0] =	vst.idx.msk $0xffff, v32  }
0x2c3: {  	v41 =	vmul.f32 s0, v41;
	v43 =	vmul.f32 v43, v21;
	v57 =	vadd.f32 v45, v27;
	[tilespmem:v37+s22+$0x0] =	vst.idx.msk $0xffff, v46  }
0x2c4: {  	v59 =	vmul.f32 v42, v22;
	v58 =	vadd.f32 v56, v28;
	[tilespmem:v38+s22+$0x0] =	vst.idx.msk $0xffff, v55  }
0x2c5: {  	v61 =	vmul.f32 v41, v23;
	v60 =	vadd.f32 v43, v29;
	[tilespmem:v36+s22+$0x0] =	vst.idx.msk $0xffff, v57  }
0x2c6: {  	v62 =	vadd.f32 v59, v30;
	[tilespmem:v34+s22+$0x0] =	vst.idx.msk $0xffff, v58  }
0x2c7: {  	s26 =	sadd.s32 $0x1, s26;
	s31 =	sadd.s32 s8, s28;
	v63 =	vadd.f32 v61, v31;
	[tilespmem:v35+s22+$0x0] =	vst.idx.msk $0xffff, v60  }
0x2c8: {  	p0 =	sne.s32 s26, $0x19;
	s0 =	sshll.u32 s31, $0x4;
	[tilespmem:v40+s22+$0x0] =	vst.idx.msk $0xffff, v62  }
.Ltmp2:
0x2c9: {  	s0 =	sadd.s32 s7, s0;
	[tilespmem:v33+s22+$0x0] =	vst.idx.msk $0xffff, v63;
	(pc) =	sbr.rel @p0 .LBB2_2-.Ltmp2, $4  }
0x2ca: {  	[hbm4b:s0+s9] =	stream.linear.scatter [tilespmem:s22], [sflag:$0x3], $0x4000, $0x38;
	[tilespmem:$0x1B380] =	vst v63  }
0x2cb: {  	_ =	swait.ge [sflag:s14], $0x4000  }
0x2cc: {  	[sflag:s14] =	ssyncset.done $0x0  }
0x2cd: {  	[sflag:s14] =	ssyncadd.s32 $0xFFFFC000  }
0x2ce: {  	s25 =	sadd.s32 $0x1, s25  }
0x2cf: {  	p0 =	sne.s32 s25, s13  }
.Ltmp3:
0x2d0: {  	_ = 	snop;
	(pc) =	sbr.rel @p0 .LBB2_1-.Ltmp3, $1  }
0x2d1: {  	_ =	sdelay $0x3  }
0x2d2: {  	_ =	sfence.sel $0x180000  }
0x2d3: {  	[bflag:$0x0] =	sbarrier.arrive $0xFFFF  }
0x2d4: {  	_ =	strace $0x90000047  }
0x2d5: {  	s0 =	stileid.u32;
	[bflag:$0x2] =	sbarrier.arrive $0xFFFF  }
0x2d6: {  	p0 =	sne.s32 s0, $0x0;
	s0 =	rddreg [dreg:$0x7]  }
0x2d7: {  	s0 =	sadd.s32 @!p0 $0x100000, s0  }
0x2d8: {  	[sflag:s0] =	ssyncadd.tile.s32 @!p0 $0x1;
	_ =	shalt  }
.Lfunc_end2:
_tile_overlayer_lowered:
.L_overlay_start_2:
0x2d9: {  	(tag) =	ssettag $0x2  }
0x2da: {  	s0 =	rddreg [dreg:$0x0];
	s2 =	stileid.u32  }
0x2db: {  	s1 =	rddreg [dreg:$0x1];
	p0 =	sne.s32 s2, $0x0  }
0x2dc: {  	s3 =	rddreg [dreg:$0x2];
	[bflag:$0x3] =	sbarrier.arrive $0xFFFF;
	s2 =	simm.s32 @!p0 $0x1C03  }
0x2dd: {  	[timem:s3], [sflag:s2] =	dma.local @!p0 [hbm:s0], s1  }
0x2de: {  	s0 =	simm.s32 @!p0 $0x3  }
0x2df: {  	_ =	swait.ge @!p0 [sflag:s0], s1  }
0x2e0: {  	s1 =	ssub.s32 @!p0 $0x0, s1;
	[sflag:s0] =	ssyncset.done @!p0 $0x0  }
0x2e1: {  	[sflag:s0] =	ssyncadd.s32 @!p0 s1  }
0x2e2: {  	[bflag:$0x3] =	sbarrier.arrive $0xFFFF  }
0x2e3: {  	_ =	shalt  }

</sc_bundles>
